<compile_context>
chip_gen: v7x
topology: tpu7x:2x2x1
jax: 0.10.2.dev20260603
libtpu: 0.0.44.dev20260713+nightly
codegen_flags: <defaults>
</compile_context>

<pallas_src>
import functools

import jax
import jax.numpy as jnp
from jax import lax
from jax.experimental import pallas as pl
from jax.experimental.pallas import tpu as pltpu
from jax.experimental.pallas import tpu_sc as plsc

N = 10000
E = 320000
D = 128
EPS = 1e-5
SLOPE = 0.01

NC = 2
NS = 16
NW = NC * NS
B = 80
CH = E // (NW * B)
RPT = 632
N_PAD = RPT * NS


@functools.cache
def _sc_kernels():
    mesh = plsc.VectorSubcoreMesh(core_axis_name="c", subcore_axis_name="s",
                                  num_cores=NC, num_subcores=NS)

    @functools.partial(
        pl.kernel,
        out_type=jax.ShapeDtypeStruct((NC, N_PAD, 16), jnp.float32),
        mesh=mesh,
        scratch_types=[
            pltpu.VMEM_SHARED((N_PAD, 16), jnp.float32),
            pltpu.VMEM((CH, B), jnp.int32),
            pltpu.VMEM((B, 16), jnp.float32),
        ],
    )
    def deg_kernel(dst_hbm, ones_hbm, zeros_hbm, out_hbm, deg_sh, idx_v, ones_v):
        c = lax.axis_index("c")
        s = lax.axis_index("s")
        wid = s * NC + c
        pltpu.sync_copy(zeros_hbm, deg_sh.at[pl.ds(s * RPT, RPT)])
        pltpu.sync_copy(ones_hbm, ones_v)
        pltpu.sync_copy(dst_hbm.at[wid], idx_v)
        plsc.subcore_barrier()

        def body(g, carry):
            pltpu.sync_copy(ones_v, deg_sh.at[idx_v.at[g]], add=True)
            return carry

        lax.fori_loop(0, CH, body, 0)
        plsc.subcore_barrier()
        pltpu.sync_copy(deg_sh.at[pl.ds(s * RPT, RPT)],
                        out_hbm.at[c, pl.ds(s * RPT, RPT)])

    @functools.partial(
        pl.kernel,
        out_type=jax.ShapeDtypeStruct((NC, N_PAD, D), jnp.float32),
        mesh=mesh,
        scratch_types=[
            pltpu.VMEM_SHARED((N_PAD, D), jnp.float32),
            pltpu.VMEM((CH, B), jnp.int32),
            pltpu.VMEM((CH, B), jnp.int32),
            pltpu.VMEM((B, D), jnp.float32),
            pltpu.SemaphoreType.DMA,
        ],
    )
    def agg_kernel(hs_hbm, src_hbm, dst_hbm, zeros_hbm, out_hbm,
                   agg_sh, sidx, didx, rows, sem):
        c = lax.axis_index("c")
        s = lax.axis_index("s")
        wid = s * NC + c
        pltpu.sync_copy(zeros_hbm, agg_sh.at[pl.ds(s * RPT, RPT)])
        pltpu.sync_copy(src_hbm.at[wid], sidx)
        pltpu.sync_copy(dst_hbm.at[wid], didx)
        plsc.subcore_barrier()

        def body(g, carry):
            pltpu.async_copy(hs_hbm.at[sidx.at[g]], rows, sem).wait()
            pltpu.sync_copy(rows, agg_sh.at[didx.at[g]], add=True)
            return carry

        lax.fori_loop(0, CH, body, 0)
        plsc.subcore_barrier()
        pltpu.sync_copy(agg_sh.at[pl.ds(s * RPT, RPT)],
                        out_hbm.at[c, pl.ds(s * RPT, RPT)])

    return deg_kernel, agg_kernel



def _leaky(x):
    return jnp.where(x > 0, x, SLOPE * x)


def _pool_max(y, pad):
    acc = y
    for sft in range(1, pad + 1):
        fill = jnp.full((y.shape[0], sft), -jnp.inf, y.dtype)
        acc = jnp.maximum(acc, jnp.concatenate([fill, y[:, :D - sft]], axis=1))
        acc = jnp.maximum(acc, jnp.concatenate([y[:, sft:], fill], axis=1))
    return acc


def _first_body(cnt_ref, x_ref, w_ref, dinv_ref, hs_ref):
    cnt = cnt_ref[0][:N, 0:1] + cnt_ref[1][:N, 0:1]
    dinv = lax.rsqrt(cnt + 2.0)
    dinv_ref[...] = dinv
    h = jnp.dot(x_ref[...], w_ref[...], preferred_element_type=jnp.float32)
    hs_ref[...] = h * dinv


_tc_first = pl.pallas_call(
    _first_body,
    out_shape=[jax.ShapeDtypeStruct((N, 1), jnp.float32),
               jax.ShapeDtypeStruct((N, D), jnp.float32)],
)


def _block_body(p_ref, hs_ref, dinv_ref, b_ref, g_ref, be_ref, lwT_ref,
                lb_ref, wn_ref, out_ref, *, pad, last):
    dinv = dinv_ref[...]
    pre = dinv * (p_ref[0][:N] + p_ref[1][:N] + 2.0 * hs_ref[...]) + b_ref[...]
    m = jnp.mean(pre, axis=0, keepdims=True)
    v = jnp.mean(pre * pre, axis=0, keepdims=True) - m * m
    y = g_ref[...] * ((pre - m) * lax.rsqrt(v + EPS)) + be_ref[...]
    y = _leaky(_pool_max(y, pad))
    z = jnp.dot(y, lwT_ref[...], preferred_element_type=jnp.float32)
    z = _leaky(z + lb_ref[...])
    if last:
        out_ref[...] = z
    else:
        out_ref[...] = dinv * jnp.dot(z, wn_ref[...],
                                      preferred_element_type=jnp.float32)


def _tc_block(pad, last):
    return pl.pallas_call(
        functools.partial(_block_body, pad=pad, last=last),
        out_shape=jax.ShapeDtypeStruct((N, D), jnp.float32),
    )


_tc_b0 = _tc_block(1, False)
_tc_b1 = _tc_block(2, False)
_tc_b2 = _tc_block(1, True)



def kernel(x, edge_index, W0, b0, g0, be0, lw0, lb0,
           W1, b1, g1, be1, lw1, lb1, W2, b2, g2, be2, lw2, lb2):
    src = edge_index[0].reshape(NW, CH, B)
    dst = edge_index[1].reshape(NW, CH, B)
    ones16 = jnp.ones((B, 16), jnp.float32)
    zeros16 = jnp.zeros((RPT, 16), jnp.float32)
    zeros128 = jnp.zeros((RPT, D), jnp.float32)
    row = lambda v: v.reshape(1, D)

    deg_kernel, agg_kernel = _sc_kernels()
    cnt = deg_kernel(dst, ones16, zeros16)
    dinv, hs = _tc_first(cnt, x, W0)

    p = agg_kernel(hs, src, dst, zeros128)
    hs = _tc_b0(p, hs, dinv, row(b0), row(g0), row(be0), lw0.T, row(lb0), W1)

    p = agg_kernel(hs, src, dst, zeros128)
    hs = _tc_b1(p, hs, dinv, row(b1), row(g1), row(be1), lw1.T, row(lb1), W2)

    p = agg_kernel(hs, src, dst, zeros128)
    out = _tc_b2(p, hs, dinv, row(b2), row(g2), row(be2), lw2.T, row(lb2), W2)
    return out

# --- scband reference (transcript-rebuilt; emitter-appended) ---
"""Pipeline reference for scband-gcn-7026566496344 (READ-ONLY COPY).

The authoritative reference and input builder live on the scoring server;
editing this copy changes nothing except your own understanding.
"""

import jax, jax.numpy as jnp
import numpy as np

N = 10000
E = 320000
IN = 128
H = 128
OUT = 128
EPS = 1e-5
SLOPE = 0.01


def maxpool1d(x, k, p):
    # torch MaxPool1d on a 2D [C, L] input: sliding max along feature axis,
    # implicit -inf padding, stride 1 -> same length
    L = x.shape[1]
    xp = jnp.pad(x, ((0, 0), (p, p)), constant_values=-jnp.inf)
    windows = jnp.stack([xp[:, i:i + L] for i in range(k)], axis=0)
    return jnp.max(windows, axis=0)


def gcn_conv(x, edge_index, W, b):
    # GCNConv with improved=True: self-loops with weight 2.0, symmetric norm
    src, dst = edge_index[0], edge_index[1]
    loop = jnp.arange(N, dtype=src.dtype)
    src2 = jnp.concatenate([src, loop])
    dst2 = jnp.concatenate([dst, loop])
    ew = jnp.concatenate([jnp.ones(E, jnp.float32), 2.0 * jnp.ones(N, jnp.float32)])
    deg = jax.ops.segment_sum(ew, dst2, num_segments=N)
    dinv = jnp.where(deg > 0, deg ** -0.5, 0.0)
    norm = dinv[src2] * ew * dinv[dst2]
    h = x @ W
    msg = h[src2] * norm[:, None]
    out = jax.ops.segment_sum(msg, dst2, num_segments=N)
    return out + b


def block(x, edge_index, W, b, g, be, lw, lb, k, p):
    h = gcn_conv(x, edge_index, W, b)
    mean = h.mean(axis=0)
    var = h.var(axis=0)  # biased, as torch BN training
    h = g * (h - mean) / jnp.sqrt(var + EPS) + be
    h = maxpool1d(h, k, p)
    h = jnp.where(h > 0, h, SLOPE * h)  # LeakyReLU
    h = h @ lw.T + lb  # Linear
    h = jnp.where(h > 0, h, SLOPE * h)  # LeakyReLU
    # Dropout: identity (eval mode)
    return h


def setup_inputs(seed: int = 0):
    key = jax.random.key(seed)
    ks = jax.random.split(key, 24)
    inp = {}
    inp['x'] = jax.random.normal(ks[0], (N, IN), dtype=jnp.float32)
    inp['edge_index'] = jax.random.randint(ks[1], (2, E), 0, N, dtype=jnp.int32)
    dims = [(IN, H), (H, H), (H, OUT)]
    for i, (din, dout) in enumerate(dims):
        inp[f'W{i}'] = jax.random.normal(ks[2 + 6 * i], (din, dout), jnp.float32) * (1.0 / np.sqrt(din))
        inp[f'b{i}'] = jnp.zeros((dout,), jnp.float32)
        inp[f'g{i}'] = jnp.ones((dout,), jnp.float32)
        inp[f'be{i}'] = jnp.zeros((dout,), jnp.float32)
        inp[f'lw{i}'] = jax.random.normal(ks[3 + 6 * i], (dout, dout), jnp.float32) * (1.0 / np.sqrt(dout))
        inp[f'lb{i}'] = jnp.zeros((dout,), jnp.float32)
    return inp


def reference(x, edge_index, W0, b0, g0, be0, lw0, lb0, W1, b1, g1, be1, lw1, lb1, W2, b2, g2, be2, lw2, lb2):
    h = block(x, edge_index, W0, b0, g0, be0, lw0, lb0, 3, 1)
    h = block(h, edge_index, W1, b1, g1, be1, lw1, lb1, 5, 2)
    h = block(h, edge_index, W2, b2, g2, be2, lw2, lb2, 3, 1)
    return h

if __name__ == "__main__":
    import jax
    _d = setup_inputs()
    print(jax.jit(kernel)(*tuple(_d.values())))

</pallas_src>

<mosaic_0001>
#map = affine_map<(d0, d1) -> (0, 0)>
#map1 = affine_map<(d0, d1) -> (0, 0, 0)>
module attributes {stable_mosaic.version = 14 : i64} {
  func.func @agg_kernel(%arg0: i32, %arg1: i32, %arg2: memref<10000x128xf32, #tpu.memory_space<hbm>>, %arg3: memref<32x125x80xi32, #tpu.memory_space<hbm>>, %arg4: memref<32x125x80xi32, #tpu.memory_space<hbm>>, %arg5: memref<632x128xf32, #tpu.memory_space<hbm>>, %arg6: memref<2x10112x128xf32, #tpu.memory_space<hbm>>, %arg7: memref<10112x128xf32, #tpu.memory_space<vmem_shared>>, %arg8: memref<125x80xi32, #tpu.memory_space<vmem>>, %arg9: memref<125x80xi32, #tpu.memory_space<vmem>>, %arg10: memref<80x128xf32, #tpu.memory_space<vmem>>, %arg11: memref<!tpu.dma_semaphore, #tpu.memory_space<semaphore_mem>>) attributes {dimension_semantics = [#tpu.dimension_semantics<core_parallel>, #tpu.dimension_semantics<subcore_parallel>], iteration_bounds = array<i64: 2, 16>, scalar_prefetch = 0 : i64, scratch_operands = 5 : i64, tpu.core_type = #tpu.core_type<sc_vector_subcore>, window_params = [{transform_indices = #map}, {transform_indices = #map1}, {transform_indices = #map1}, {transform_indices = #map}, {transform_indices = #map1}]} {
    %mul3A = arith.constant 2 : i32
    %mul3A_0 = arith.muli %arg1, %mul3A : i32
    %add3A = arith.addi %mul3A_0, %arg0 : i32
    %mul3A_1 = arith.constant 632 : i32
    %mul3A_2 = arith.muli %arg1, %mul3A_1 : i32
    "tpu.region"() ({
      %run_scoped3A = tpu.sem_alloc : memref<!tpu.dma_semaphore, #tpu.memory_space<semaphore_mem>>
      %dma_start3A = arith.constant 0 : i32
      %dma_start3A_13 = tpu.memref_slice %arg7[%mul3A_2, %dma_start3A] : memref<10112x128xf32, #tpu.memory_space<vmem_shared>> -> memref<632x128xf32, #tpu.memory_space<vmem_shared>>
      tpu.enqueue_dma source(%arg5 : memref<632x128xf32, #tpu.memory_space<hbm>>) target(%dma_start3A_13 : memref<632x128xf32, #tpu.memory_space<vmem_shared>>) target_semaphore(%run_scoped3A : memref<!tpu.dma_semaphore, #tpu.memory_space<semaphore_mem>>)
      %dma_wait3A = arith.constant 0 : i32
      %dma_wait3A_14 = tpu.memref_slice %arg7[%mul3A_2, %dma_wait3A] : memref<10112x128xf32, #tpu.memory_space<vmem_shared>> -> memref<632x128xf32, #tpu.memory_space<vmem_shared>>
      tpu.wait_dma2 semaphore(%run_scoped3A : memref<!tpu.dma_semaphore, #tpu.memory_space<semaphore_mem>>) src(%arg5 : memref<632x128xf32, #tpu.memory_space<hbm>>) dst(%dma_wait3A_14 : memref<632x128xf32, #tpu.memory_space<vmem_shared>>)
      tpu.yield
    }) : () -> ()
    "tpu.region"() ({
      %run_scoped3A = tpu.sem_alloc : memref<!tpu.dma_semaphore, #tpu.memory_space<semaphore_mem>>
      %dma_start3A = arith.constant 0 : i32
      %dma_start3A_13 = arith.constant 0 : i32
      %dma_start3A_14 = tpu.memref_slice %arg3[%add3A, %dma_start3A, %dma_start3A_13] : memref<32x125x80xi32, #tpu.memory_space<hbm>> -> memref<1x125x80xi32, #tpu.memory_space<hbm>>
      %dma_start3A_15 = tpu.memref_squeeze %dma_start3A_14 : memref<1x125x80xi32, #tpu.memory_space<hbm>> -> memref<125x80xi32, #tpu.memory_space<hbm>>
      %dma_start3A_16 = arith.constant 0 : i32
      %dma_start3A_17 = arith.constant 0 : i32
      %dma_start3A_18 = tpu.memref_slice %arg3[%add3A, %dma_start3A_16, %dma_start3A_17] : memref<32x125x80xi32, #tpu.memory_space<hbm>> -> memref<1x125x80xi32, #tpu.memory_space<hbm>>
      %dma_start3A_19 = tpu.memref_squeeze %dma_start3A_18 : memref<1x125x80xi32, #tpu.memory_space<hbm>> -> memref<125x80xi32, #tpu.memory_space<hbm>>
      tpu.enqueue_dma source(%dma_start3A_19 : memref<125x80xi32, #tpu.memory_space<hbm>>) target(%arg8 : memref<125x80xi32, #tpu.memory_space<vmem>>) target_semaphore(%run_scoped3A : memref<!tpu.dma_semaphore, #tpu.memory_space<semaphore_mem>>)
      %dma_wait3A = arith.constant 0 : i32
      %dma_wait3A_20 = arith.constant 0 : i32
      %dma_wait3A_21 = tpu.memref_slice %arg3[%add3A, %dma_wait3A, %dma_wait3A_20] : memref<32x125x80xi32, #tpu.memory_space<hbm>> -> memref<1x125x80xi32, #tpu.memory_space<hbm>>
      %dma_wait3A_22 = tpu.memref_squeeze %dma_wait3A_21 : memref<1x125x80xi32, #tpu.memory_space<hbm>> -> memref<125x80xi32, #tpu.memory_space<hbm>>
      %dma_wait3A_23 = arith.constant 0 : i32
      %dma_wait3A_24 = arith.constant 0 : i32
      %dma_wait3A_25 = tpu.memref_slice %arg3[%add3A, %dma_wait3A_23, %dma_wait3A_24] : memref<32x125x80xi32, #tpu.memory_space<hbm>> -> memref<1x125x80xi32, #tpu.memory_space<hbm>>
      %dma_wait3A_26 = tpu.memref_squeeze %dma_wait3A_25 : memref<1x125x80xi32, #tpu.memory_space<hbm>> -> memref<125x80xi32, #tpu.memory_space<hbm>>
      tpu.wait_dma2 semaphore(%run_scoped3A : memref<!tpu.dma_semaphore, #tpu.memory_space<semaphore_mem>>) src(%dma_wait3A_26 : memref<125x80xi32, #tpu.memory_space<hbm>>) dst(%arg8 : memref<125x80xi32, #tpu.memory_space<vmem>>)
      tpu.yield
    }) : () -> ()
    "tpu.region"() ({
      %run_scoped3A = tpu.sem_alloc : memref<!tpu.dma_semaphore, #tpu.memory_space<semaphore_mem>>
      %dma_start3A = arith.constant 0 : i32
      %dma_start3A_13 = arith.constant 0 : i32
      %dma_start3A_14 = tpu.memref_slice %arg4[%add3A, %dma_start3A, %dma_start3A_13] : memref<32x125x80xi32, #tpu.memory_space<hbm>> -> memref<1x125x80xi32, #tpu.memory_space<hbm>>
      %dma_start3A_15 = tpu.memref_squeeze %dma_start3A_14 : memref<1x125x80xi32, #tpu.memory_space<hbm>> -> memref<125x80xi32, #tpu.memory_space<hbm>>
      %dma_start3A_16 = arith.constant 0 : i32
      %dma_start3A_17 = arith.constant 0 : i32
      %dma_start3A_18 = tpu.memref_slice %arg4[%add3A, %dma_start3A_16, %dma_start3A_17] : memref<32x125x80xi32, #tpu.memory_space<hbm>> -> memref<1x125x80xi32, #tpu.memory_space<hbm>>
      %dma_start3A_19 = tpu.memref_squeeze %dma_start3A_18 : memref<1x125x80xi32, #tpu.memory_space<hbm>> -> memref<125x80xi32, #tpu.memory_space<hbm>>
      tpu.enqueue_dma source(%dma_start3A_19 : memref<125x80xi32, #tpu.memory_space<hbm>>) target(%arg9 : memref<125x80xi32, #tpu.memory_space<vmem>>) target_semaphore(%run_scoped3A : memref<!tpu.dma_semaphore, #tpu.memory_space<semaphore_mem>>)
      %dma_wait3A = arith.constant 0 : i32
      %dma_wait3A_20 = arith.constant 0 : i32
      %dma_wait3A_21 = tpu.memref_slice %arg4[%add3A, %dma_wait3A, %dma_wait3A_20] : memref<32x125x80xi32, #tpu.memory_space<hbm>> -> memref<1x125x80xi32, #tpu.memory_space<hbm>>
      %dma_wait3A_22 = tpu.memref_squeeze %dma_wait3A_21 : memref<1x125x80xi32, #tpu.memory_space<hbm>> -> memref<125x80xi32, #tpu.memory_space<hbm>>
      %dma_wait3A_23 = arith.constant 0 : i32
      %dma_wait3A_24 = arith.constant 0 : i32
      %dma_wait3A_25 = tpu.memref_slice %arg4[%add3A, %dma_wait3A_23, %dma_wait3A_24] : memref<32x125x80xi32, #tpu.memory_space<hbm>> -> memref<1x125x80xi32, #tpu.memory_space<hbm>>
      %dma_wait3A_26 = tpu.memref_squeeze %dma_wait3A_25 : memref<1x125x80xi32, #tpu.memory_space<hbm>> -> memref<125x80xi32, #tpu.memory_space<hbm>>
      tpu.wait_dma2 semaphore(%run_scoped3A : memref<!tpu.dma_semaphore, #tpu.memory_space<semaphore_mem>>) src(%dma_wait3A_26 : memref<125x80xi32, #tpu.memory_space<hbm>>) dst(%arg9 : memref<125x80xi32, #tpu.memory_space<vmem>>)
      tpu.yield
    }) : () -> ()
    %barrier3A = arith.constant 0 : index
    tpu.barrier barrier_id(%barrier3A)
    %scan3A = arith.constant 0 : i32
    %scan3A_3 = arith.constant 0 : i32
    %scan3A_4 = arith.constant 125 : i32
    %scan3A_5 = arith.addi %scan3A_3, %scan3A_4 : i32
    %scan3A_6 = arith.constant 1 : i32
    scf.for %scan3A_13 = %scan3A_3 to %scan3A_5 step %scan3A_6  : i32 {
      %dma_start3A = arith.constant 0 : i32
      %dma_start3A_14 = tpu.memref_slice %arg8[%scan3A_13, %dma_start3A] : memref<125x80xi32, #tpu.memory_space<vmem>> -> memref<1x80xi32, #tpu.memory_space<vmem>>
      %dma_start3A_15 = tpu.memref_squeeze %dma_start3A_14 : memref<1x80xi32, #tpu.memory_space<vmem>> -> memref<80xi32, #tpu.memory_space<vmem>>
      %dma_start3A_16 = arith.constant 0 : i32
      %dma_start3A_17 = arith.constant 0 : i32
      %dma_start3A_18 = tpu.memref_slice %arg2[%dma_start3A_16, %dma_start3A_17] : memref<10000x128xf32, #tpu.memory_space<hbm>> -> memref<10000x128xf32, #tpu.memory_space<hbm>>
      tpu.enqueue_indirect_dma source(%dma_start3A_18 : memref<10000x128xf32, #tpu.memory_space<hbm>>) target(%arg10 : memref<80x128xf32, #tpu.memory_space<vmem>>) offsets(%dma_start3A_15 : memref<80xi32, #tpu.memory_space<vmem>>) semaphore(%arg11 : memref<!tpu.dma_semaphore, #tpu.memory_space<semaphore_mem>>)
      %dma_wait3A = arith.constant 0 : i32
      %dma_wait3A_19 = tpu.memref_slice %arg8[%scan3A_13, %dma_wait3A] : memref<125x80xi32, #tpu.memory_space<vmem>> -> memref<1x80xi32, #tpu.memory_space<vmem>>
      %dma_wait3A_20 = tpu.memref_squeeze %dma_wait3A_19 : memref<1x80xi32, #tpu.memory_space<vmem>> -> memref<80xi32, #tpu.memory_space<vmem>>
      %dma_wait3A_21 = arith.constant 0 : i32
      %dma_wait3A_22 = arith.constant 0 : i32
      %dma_wait3A_23 = tpu.memref_slice %arg2[%dma_wait3A_21, %dma_wait3A_22] : memref<10000x128xf32, #tpu.memory_space<hbm>> -> memref<10000x128xf32, #tpu.memory_space<hbm>>
      tpu.wait_indirect_dma semaphore(%arg11 : memref<!tpu.dma_semaphore, #tpu.memory_space<semaphore_mem>>) src(%dma_wait3A_23 : memref<10000x128xf32, #tpu.memory_space<hbm>>) dst(%arg10 : memref<80x128xf32, #tpu.memory_space<vmem>>)
      "tpu.region"() ({
        %run_scoped3A = tpu.sem_alloc : memref<!tpu.dma_semaphore, #tpu.memory_space<semaphore_mem>>
        %dma_start3A_24 = arith.constant 0 : i32
        %dma_start3A_25 = tpu.memref_slice %arg9[%scan3A_13, %dma_start3A_24] : memref<125x80xi32, #tpu.memory_space<vmem>> -> memref<1x80xi32, #tpu.memory_space<vmem>>
        %dma_start3A_26 = tpu.memref_squeeze %dma_start3A_25 : memref<1x80xi32, #tpu.memory_space<vmem>> -> memref<80xi32, #tpu.memory_space<vmem>>
        %dma_start3A_27 = arith.constant 0 : i32
        %dma_start3A_28 = arith.constant 0 : i32
        %dma_start3A_29 = tpu.memref_slice %arg7[%dma_start3A_27, %dma_start3A_28] : memref<10112x128xf32, #tpu.memory_space<vmem_shared>> -> memref<10112x128xf32, #tpu.memory_space<vmem_shared>>
        tpu.enqueue_indirect_dma source(%arg10 : memref<80x128xf32, #tpu.memory_space<vmem>>) target(%dma_start3A_29 : memref<10112x128xf32, #tpu.memory_space<vmem_shared>>) offsets(%dma_start3A_26 : memref<80xi32, #tpu.memory_space<vmem>>) semaphore(%run_scoped3A : memref<!tpu.dma_semaphore, #tpu.memory_space<semaphore_mem>>) {add = true}
        %dma_wait3A_30 = arith.constant 0 : i32
        %dma_wait3A_31 = tpu.memref_slice %arg9[%scan3A_13, %dma_wait3A_30] : memref<125x80xi32, #tpu.memory_space<vmem>> -> memref<1x80xi32, #tpu.memory_space<vmem>>
        %dma_wait3A_32 = tpu.memref_squeeze %dma_wait3A_31 : memref<1x80xi32, #tpu.memory_space<vmem>> -> memref<80xi32, #tpu.memory_space<vmem>>
        %dma_wait3A_33 = arith.constant 0 : i32
        %dma_wait3A_34 = arith.constant 0 : i32
        %dma_wait3A_35 = tpu.memref_slice %arg7[%dma_wait3A_33, %dma_wait3A_34] : memref<10112x128xf32, #tpu.memory_space<vmem_shared>> -> memref<10112x128xf32, #tpu.memory_space<vmem_shared>>
        tpu.wait_indirect_dma semaphore(%run_scoped3A : memref<!tpu.dma_semaphore, #tpu.memory_space<semaphore_mem>>) src(%arg10 : memref<80x128xf32, #tpu.memory_space<vmem>>) dst(%dma_wait3A_35 : memref<10112x128xf32, #tpu.memory_space<vmem_shared>>)
        tpu.yield
      }) : () -> ()
    }
    %scan3A_7 = arith.constant 125 : i32
    %barrier3A_8 = arith.constant 0 : index
    tpu.barrier barrier_id(%barrier3A_8)
    %mul3A_9 = arith.constant 632 : i32
    %mul3A_10 = arith.muli %arg1, %mul3A_9 : i32
    %mul3A_11 = arith.constant 632 : i32
    %mul3A_12 = arith.muli %arg1, %mul3A_11 : i32
    "tpu.region"() ({
      %run_scoped3A = tpu.sem_alloc : memref<!tpu.dma_semaphore, #tpu.memory_space<semaphore_mem>>
      %dma_start3A = arith.constant 0 : i32
      %dma_start3A_13 = tpu.memref_slice %arg6[%arg0, %mul3A_12, %dma_start3A] : memref<2x10112x128xf32, #tpu.memory_space<hbm>> -> memref<1x632x128xf32, #tpu.memory_space<hbm>>
      %dma_start3A_14 = tpu.memref_squeeze %dma_start3A_13 : memref<1x632x128xf32, #tpu.memory_space<hbm>> -> memref<632x128xf32, #tpu.memory_space<hbm>>
      %dma_start3A_15 = arith.constant 0 : i32
      %dma_start3A_16 = tpu.memref_slice %arg7[%mul3A_10, %dma_start3A_15] : memref<10112x128xf32, #tpu.memory_space<vmem_shared>> -> memref<632x128xf32, #tpu.memory_space<vmem_shared>>
      tpu.enqueue_dma source(%dma_start3A_16 : memref<632x128xf32, #tpu.memory_space<vmem_shared>>) target(%dma_start3A_14 : memref<632x128xf32, #tpu.memory_space<hbm>>) target_semaphore(%run_scoped3A : memref<!tpu.dma_semaphore, #tpu.memory_space<semaphore_mem>>)
      %dma_wait3A = arith.constant 0 : i32
      %dma_wait3A_17 = tpu.memref_slice %arg6[%arg0, %mul3A_12, %dma_wait3A] : memref<2x10112x128xf32, #tpu.memory_space<hbm>> -> memref<1x632x128xf32, #tpu.memory_space<hbm>>
      %dma_wait3A_18 = tpu.memref_squeeze %dma_wait3A_17 : memref<1x632x128xf32, #tpu.memory_space<hbm>> -> memref<632x128xf32, #tpu.memory_space<hbm>>
      %dma_wait3A_19 = arith.constant 0 : i32
      %dma_wait3A_20 = tpu.memref_slice %arg7[%mul3A_10, %dma_wait3A_19] : memref<10112x128xf32, #tpu.memory_space<vmem_shared>> -> memref<632x128xf32, #tpu.memory_space<vmem_shared>>
      tpu.wait_dma2 semaphore(%run_scoped3A : memref<!tpu.dma_semaphore, #tpu.memory_space<semaphore_mem>>) src(%dma_wait3A_20 : memref<632x128xf32, #tpu.memory_space<vmem_shared>>) dst(%dma_wait3A_18 : memref<632x128xf32, #tpu.memory_space<hbm>>)
      tpu.yield
    }) : () -> ()
    return
  }
}

#map = affine_map<(d0, d1) -> (0, 0, 0)>
#map1 = affine_map<(d0, d1) -> (0, 0)>
module attributes {stable_mosaic.version = 14 : i64} {
  func.func @deg_kernel(%arg0: i32, %arg1: i32, %arg2: memref<32x125x80xi32, #tpu.memory_space<hbm>>, %arg3: memref<80x16xf32, #tpu.memory_space<hbm>>, %arg4: memref<632x16xf32, #tpu.memory_space<hbm>>, %arg5: memref<2x10112x16xf32, #tpu.memory_space<hbm>>, %arg6: memref<10112x16xf32, #tpu.memory_space<vmem_shared>>, %arg7: memref<125x80xi32, #tpu.memory_space<vmem>>, %arg8: memref<80x16xf32, #tpu.memory_space<vmem>>) attributes {dimension_semantics = [#tpu.dimension_semantics<core_parallel>, #tpu.dimension_semantics<subcore_parallel>], iteration_bounds = array<i64: 2, 16>, scalar_prefetch = 0 : i64, scratch_operands = 3 : i64, tpu.core_type = #tpu.core_type<sc_vector_subcore>, window_params = [{transform_indices = #map}, {transform_indices = #map1}, {transform_indices = #map1}, {transform_indices = #map}]} {
    %mul3A = arith.constant 2 : i32
    %mul3A_0 = arith.muli %arg1, %mul3A : i32
    %add3A = arith.addi %mul3A_0, %arg0 : i32
    %mul3A_1 = arith.constant 632 : i32
    %mul3A_2 = arith.muli %arg1, %mul3A_1 : i32
    "tpu.region"() ({
      %run_scoped3A = tpu.sem_alloc : memref<!tpu.dma_semaphore, #tpu.memory_space<semaphore_mem>>
      %dma_start3A = arith.constant 0 : i32
      %dma_start3A_13 = tpu.memref_slice %arg6[%mul3A_2, %dma_start3A] : memref<10112x16xf32, #tpu.memory_space<vmem_shared>> -> memref<632x16xf32, #tpu.memory_space<vmem_shared>>
      tpu.enqueue_dma source(%arg4 : memref<632x16xf32, #tpu.memory_space<hbm>>) target(%dma_start3A_13 : memref<632x16xf32, #tpu.memory_space<vmem_shared>>) target_semaphore(%run_scoped3A : memref<!tpu.dma_semaphore, #tpu.memory_space<semaphore_mem>>)
      %dma_wait3A = arith.constant 0 : i32
      %dma_wait3A_14 = tpu.memref_slice %arg6[%mul3A_2, %dma_wait3A] : memref<10112x16xf32, #tpu.memory_space<vmem_shared>> -> memref<632x16xf32, #tpu.memory_space<vmem_shared>>
      tpu.wait_dma2 semaphore(%run_scoped3A : memref<!tpu.dma_semaphore, #tpu.memory_space<semaphore_mem>>) src(%arg4 : memref<632x16xf32, #tpu.memory_space<hbm>>) dst(%dma_wait3A_14 : memref<632x16xf32, #tpu.memory_space<vmem_shared>>)
      tpu.yield
    }) : () -> ()
    "tpu.region"() ({
      %run_scoped3A = tpu.sem_alloc : memref<!tpu.dma_semaphore, #tpu.memory_space<semaphore_mem>>
      tpu.enqueue_dma source(%arg3 : memref<80x16xf32, #tpu.memory_space<hbm>>) target(%arg8 : memref<80x16xf32, #tpu.memory_space<vmem>>) target_semaphore(%run_scoped3A : memref<!tpu.dma_semaphore, #tpu.memory_space<semaphore_mem>>)
      tpu.wait_dma2 semaphore(%run_scoped3A : memref<!tpu.dma_semaphore, #tpu.memory_space<semaphore_mem>>) src(%arg3 : memref<80x16xf32, #tpu.memory_space<hbm>>) dst(%arg8 : memref<80x16xf32, #tpu.memory_space<vmem>>)
      tpu.yield
    }) : () -> ()
    "tpu.region"() ({
      %run_scoped3A = tpu.sem_alloc : memref<!tpu.dma_semaphore, #tpu.memory_space<semaphore_mem>>
      %dma_start3A = arith.constant 0 : i32
      %dma_start3A_13 = arith.constant 0 : i32
      %dma_start3A_14 = tpu.memref_slice %arg2[%add3A, %dma_start3A, %dma_start3A_13] : memref<32x125x80xi32, #tpu.memory_space<hbm>> -> memref<1x125x80xi32, #tpu.memory_space<hbm>>
      %dma_start3A_15 = tpu.memref_squeeze %dma_start3A_14 : memref<1x125x80xi32, #tpu.memory_space<hbm>> -> memref<125x80xi32, #tpu.memory_space<hbm>>
      %dma_start3A_16 = arith.constant 0 : i32
      %dma_start3A_17 = arith.constant 0 : i32
      %dma_start3A_18 = tpu.memref_slice %arg2[%add3A, %dma_start3A_16, %dma_start3A_17] : memref<32x125x80xi32, #tpu.memory_space<hbm>> -> memref<1x125x80xi32, #tpu.memory_space<hbm>>
      %dma_start3A_19 = tpu.memref_squeeze %dma_start3A_18 : memref<1x125x80xi32, #tpu.memory_space<hbm>> -> memref<125x80xi32, #tpu.memory_space<hbm>>
      tpu.enqueue_dma source(%dma_start3A_19 : memref<125x80xi32, #tpu.memory_space<hbm>>) target(%arg7 : memref<125x80xi32, #tpu.memory_space<vmem>>) target_semaphore(%run_scoped3A : memref<!tpu.dma_semaphore, #tpu.memory_space<semaphore_mem>>)
      %dma_wait3A = arith.constant 0 : i32
      %dma_wait3A_20 = arith.constant 0 : i32
      %dma_wait3A_21 = tpu.memref_slice %arg2[%add3A, %dma_wait3A, %dma_wait3A_20] : memref<32x125x80xi32, #tpu.memory_space<hbm>> -> memref<1x125x80xi32, #tpu.memory_space<hbm>>
      %dma_wait3A_22 = tpu.memref_squeeze %dma_wait3A_21 : memref<1x125x80xi32, #tpu.memory_space<hbm>> -> memref<125x80xi32, #tpu.memory_space<hbm>>
      %dma_wait3A_23 = arith.constant 0 : i32
      %dma_wait3A_24 = arith.constant 0 : i32
      %dma_wait3A_25 = tpu.memref_slice %arg2[%add3A, %dma_wait3A_23, %dma_wait3A_24] : memref<32x125x80xi32, #tpu.memory_space<hbm>> -> memref<1x125x80xi32, #tpu.memory_space<hbm>>
      %dma_wait3A_26 = tpu.memref_squeeze %dma_wait3A_25 : memref<1x125x80xi32, #tpu.memory_space<hbm>> -> memref<125x80xi32, #tpu.memory_space<hbm>>
      tpu.wait_dma2 semaphore(%run_scoped3A : memref<!tpu.dma_semaphore, #tpu.memory_space<semaphore_mem>>) src(%dma_wait3A_26 : memref<125x80xi32, #tpu.memory_space<hbm>>) dst(%arg7 : memref<125x80xi32, #tpu.memory_space<vmem>>)
      tpu.yield
    }) : () -> ()
    %barrier3A = arith.constant 0 : index
    tpu.barrier barrier_id(%barrier3A)
    %scan3A = arith.constant 0 : i32
    %scan3A_3 = arith.constant 0 : i32
    %scan3A_4 = arith.constant 125 : i32
    %scan3A_5 = arith.addi %scan3A_3, %scan3A_4 : i32
    %scan3A_6 = arith.constant 1 : i32
    scf.for %scan3A_13 = %scan3A_3 to %scan3A_5 step %scan3A_6  : i32 {
      "tpu.region"() ({
        %run_scoped3A = tpu.sem_alloc : memref<!tpu.dma_semaphore, #tpu.memory_space<semaphore_mem>>
        %dma_start3A = arith.constant 0 : i32
        %dma_start3A_14 = tpu.memref_slice %arg7[%scan3A_13, %dma_start3A] : memref<125x80xi32, #tpu.memory_space<vmem>> -> memref<1x80xi32, #tpu.memory_space<vmem>>
        %dma_start3A_15 = tpu.memref_squeeze %dma_start3A_14 : memref<1x80xi32, #tpu.memory_space<vmem>> -> memref<80xi32, #tpu.memory_space<vmem>>
        %dma_start3A_16 = arith.constant 0 : i32
        %dma_start3A_17 = arith.constant 0 : i32
        %dma_start3A_18 = tpu.memref_slice %arg6[%dma_start3A_16, %dma_start3A_17] : memref<10112x16xf32, #tpu.memory_space<vmem_shared>> -> memref<10112x16xf32, #tpu.memory_space<vmem_shared>>
        tpu.enqueue_indirect_dma source(%arg8 : memref<80x16xf32, #tpu.memory_space<vmem>>) target(%dma_start3A_18 : memref<10112x16xf32, #tpu.memory_space<vmem_shared>>) offsets(%dma_start3A_15 : memref<80xi32, #tpu.memory_space<vmem>>) semaphore(%run_scoped3A : memref<!tpu.dma_semaphore, #tpu.memory_space<semaphore_mem>>) {add = true}
        %dma_wait3A = arith.constant 0 : i32
        %dma_wait3A_19 = tpu.memref_slice %arg7[%scan3A_13, %dma_wait3A] : memref<125x80xi32, #tpu.memory_space<vmem>> -> memref<1x80xi32, #tpu.memory_space<vmem>>
        %dma_wait3A_20 = tpu.memref_squeeze %dma_wait3A_19 : memref<1x80xi32, #tpu.memory_space<vmem>> -> memref<80xi32, #tpu.memory_space<vmem>>
        %dma_wait3A_21 = arith.constant 0 : i32
        %dma_wait3A_22 = arith.constant 0 : i32
        %dma_wait3A_23 = tpu.memref_slice %arg6[%dma_wait3A_21, %dma_wait3A_22] : memref<10112x16xf32, #tpu.memory_space<vmem_shared>> -> memref<10112x16xf32, #tpu.memory_space<vmem_shared>>
        tpu.wait_indirect_dma semaphore(%run_scoped3A : memref<!tpu.dma_semaphore, #tpu.memory_space<semaphore_mem>>) src(%arg8 : memref<80x16xf32, #tpu.memory_space<vmem>>) dst(%dma_wait3A_23 : memref<10112x16xf32, #tpu.memory_space<vmem_shared>>)
        tpu.yield
      }) : () -> ()
    }
    %scan3A_7 = arith.constant 125 : i32
    %barrier3A_8 = arith.constant 0 : index
    tpu.barrier barrier_id(%barrier3A_8)
    %mul3A_9 = arith.constant 632 : i32
    %mul3A_10 = arith.muli %arg1, %mul3A_9 : i32
    %mul3A_11 = arith.constant 632 : i32
    %mul3A_12 = arith.muli %arg1, %mul3A_11 : i32
    "tpu.region"() ({
      %run_scoped3A = tpu.sem_alloc : memref<!tpu.dma_semaphore, #tpu.memory_space<semaphore_mem>>
      %dma_start3A = arith.constant 0 : i32
      %dma_start3A_13 = tpu.memref_slice %arg5[%arg0, %mul3A_12, %dma_start3A] : memref<2x10112x16xf32, #tpu.memory_space<hbm>> -> memref<1x632x16xf32, #tpu.memory_space<hbm>>
      %dma_start3A_14 = tpu.memref_squeeze %dma_start3A_13 : memref<1x632x16xf32, #tpu.memory_space<hbm>> -> memref<632x16xf32, #tpu.memory_space<hbm>>
      %dma_start3A_15 = arith.constant 0 : i32
      %dma_start3A_16 = tpu.memref_slice %arg6[%mul3A_10, %dma_start3A_15] : memref<10112x16xf32, #tpu.memory_space<vmem_shared>> -> memref<632x16xf32, #tpu.memory_space<vmem_shared>>
      tpu.enqueue_dma source(%dma_start3A_16 : memref<632x16xf32, #tpu.memory_space<vmem_shared>>) target(%dma_start3A_14 : memref<632x16xf32, #tpu.memory_space<hbm>>) target_semaphore(%run_scoped3A : memref<!tpu.dma_semaphore, #tpu.memory_space<semaphore_mem>>)
      %dma_wait3A = arith.constant 0 : i32
      %dma_wait3A_17 = tpu.memref_slice %arg5[%arg0, %mul3A_12, %dma_wait3A] : memref<2x10112x16xf32, #tpu.memory_space<hbm>> -> memref<1x632x16xf32, #tpu.memory_space<hbm>>
      %dma_wait3A_18 = tpu.memref_squeeze %dma_wait3A_17 : memref<1x632x16xf32, #tpu.memory_space<hbm>> -> memref<632x16xf32, #tpu.memory_space<hbm>>
      %dma_wait3A_19 = arith.constant 0 : i32
      %dma_wait3A_20 = tpu.memref_slice %arg6[%mul3A_10, %dma_wait3A_19] : memref<10112x16xf32, #tpu.memory_space<vmem_shared>> -> memref<632x16xf32, #tpu.memory_space<vmem_shared>>
      tpu.wait_dma2 semaphore(%run_scoped3A : memref<!tpu.dma_semaphore, #tpu.memory_space<semaphore_mem>>) src(%dma_wait3A_20 : memref<632x16xf32, #tpu.memory_space<vmem_shared>>) dst(%dma_wait3A_18 : memref<632x16xf32, #tpu.memory_space<hbm>>)
      tpu.yield
    }) : () -> ()
    return
  }
}

#map = affine_map<(d0, d1) -> (0, 0)>
#map1 = affine_map<(d0, d1) -> (0, 0, 0)>
module attributes {stable_mosaic.version = 14 : i64} {
  func.func @agg_kernel(%arg0: i32, %arg1: i32, %arg2: memref<10000x128xf32, #tpu.memory_space<hbm>>, %arg3: memref<32x125x80xi32, #tpu.memory_space<hbm>>, %arg4: memref<32x125x80xi32, #tpu.memory_space<hbm>>, %arg5: memref<632x128xf32, #tpu.memory_space<hbm>>, %arg6: memref<2x10112x128xf32, #tpu.memory_space<hbm>>, %arg7: memref<10112x128xf32, #tpu.memory_space<vmem_shared>>, %arg8: memref<125x80xi32, #tpu.memory_space<vmem>>, %arg9: memref<125x80xi32, #tpu.memory_space<vmem>>, %arg10: memref<80x128xf32, #tpu.memory_space<vmem>>, %arg11: memref<!tpu.dma_semaphore, #tpu.memory_space<semaphore_mem>>) attributes {dimension_semantics = [#tpu.dimension_semantics<core_parallel>, #tpu.dimension_semantics<subcore_parallel>], iteration_bounds = array<i64: 2, 16>, scalar_prefetch = 0 : i64, scratch_operands = 5 : i64, tpu.core_type = #tpu.core_type<sc_vector_subcore>, window_params = [{transform_indices = #map}, {transform_indices = #map1}, {transform_indices = #map1}, {transform_indices = #map}, {transform_indices = #map1}]} {
    %mul3A = arith.constant 2 : i32
    %mul3A_0 = arith.muli %arg1, %mul3A : i32
    %add3A = arith.addi %mul3A_0, %arg0 : i32
    %mul3A_1 = arith.constant 632 : i32
    %mul3A_2 = arith.muli %arg1, %mul3A_1 : i32
    "tpu.region"() ({
      %run_scoped3A = tpu.sem_alloc : memref<!tpu.dma_semaphore, #tpu.memory_space<semaphore_mem>>
      %dma_start3A = arith.constant 0 : i32
      %dma_start3A_13 = tpu.memref_slice %arg7[%mul3A_2, %dma_start3A] : memref<10112x128xf32, #tpu.memory_space<vmem_shared>> -> memref<632x128xf32, #tpu.memory_space<vmem_shared>>
      tpu.enqueue_dma source(%arg5 : memref<632x128xf32, #tpu.memory_space<hbm>>) target(%dma_start3A_13 : memref<632x128xf32, #tpu.memory_space<vmem_shared>>) target_semaphore(%run_scoped3A : memref<!tpu.dma_semaphore, #tpu.memory_space<semaphore_mem>>)
      %dma_wait3A = arith.constant 0 : i32
      %dma_wait3A_14 = tpu.memref_slice %arg7[%mul3A_2, %dma_wait3A] : memref<10112x128xf32, #tpu.memory_space<vmem_shared>> -> memref<632x128xf32, #tpu.memory_space<vmem_shared>>
      tpu.wait_dma2 semaphore(%run_scoped3A : memref<!tpu.dma_semaphore, #tpu.memory_space<semaphore_mem>>) src(%arg5 : memref<632x128xf32, #tpu.memory_space<hbm>>) dst(%dma_wait3A_14 : memref<632x128xf32, #tpu.memory_space<vmem_shared>>)
      tpu.yield
    }) : () -> ()
    "tpu.region"() ({
      %run_scoped3A = tpu.sem_alloc : memref<!tpu.dma_semaphore, #tpu.memory_space<semaphore_mem>>
      %dma_start3A = arith.constant 0 : i32
      %dma_start3A_13 = arith.constant 0 : i32
      %dma_start3A_14 = tpu.memref_slice %arg3[%add3A, %dma_start3A, %dma_start3A_13] : memref<32x125x80xi32, #tpu.memory_space<hbm>> -> memref<1x125x80xi32, #tpu.memory_space<hbm>>
      %dma_start3A_15 = tpu.memref_squeeze %dma_start3A_14 : memref<1x125x80xi32, #tpu.memory_space<hbm>> -> memref<125x80xi32, #tpu.memory_space<hbm>>
      %dma_start3A_16 = arith.constant 0 : i32
      %dma_start3A_17 = arith.constant 0 : i32
      %dma_start3A_18 = tpu.memref_slice %arg3[%add3A, %dma_start3A_16, %dma_start3A_17] : memref<32x125x80xi32, #tpu.memory_space<hbm>> -> memref<1x125x80xi32, #tpu.memory_space<hbm>>
      %dma_start3A_19 = tpu.memref_squeeze %dma_start3A_18 : memref<1x125x80xi32, #tpu.memory_space<hbm>> -> memref<125x80xi32, #tpu.memory_space<hbm>>
      tpu.enqueue_dma source(%dma_start3A_19 : memref<125x80xi32, #tpu.memory_space<hbm>>) target(%arg8 : memref<125x80xi32, #tpu.memory_space<vmem>>) target_semaphore(%run_scoped3A : memref<!tpu.dma_semaphore, #tpu.memory_space<semaphore_mem>>)
      %dma_wait3A = arith.constant 0 : i32
      %dma_wait3A_20 = arith.constant 0 : i32
      %dma_wait3A_21 = tpu.memref_slice %arg3[%add3A, %dma_wait3A, %dma_wait3A_20] : memref<32x125x80xi32, #tpu.memory_space<hbm>> -> memref<1x125x80xi32, #tpu.memory_space<hbm>>
      %dma_wait3A_22 = tpu.memref_squeeze %dma_wait3A_21 : memref<1x125x80xi32, #tpu.memory_space<hbm>> -> memref<125x80xi32, #tpu.memory_space<hbm>>
      %dma_wait3A_23 = arith.constant 0 : i32
      %dma_wait3A_24 = arith.constant 0 : i32
      %dma_wait3A_25 = tpu.memref_slice %arg3[%add3A, %dma_wait3A_23, %dma_wait3A_24] : memref<32x125x80xi32, #tpu.memory_space<hbm>> -> memref<1x125x80xi32, #tpu.memory_space<hbm>>
      %dma_wait3A_26 = tpu.memref_squeeze %dma_wait3A_25 : memref<1x125x80xi32, #tpu.memory_space<hbm>> -> memref<125x80xi32, #tpu.memory_space<hbm>>
      tpu.wait_dma2 semaphore(%run_scoped3A : memref<!tpu.dma_semaphore, #tpu.memory_space<semaphore_mem>>) src(%dma_wait3A_26 : memref<125x80xi32, #tpu.memory_space<hbm>>) dst(%arg8 : memref<125x80xi32, #tpu.memory_space<vmem>>)
      tpu.yield
    }) : () -> ()
    "tpu.region"() ({
      %run_scoped3A = tpu.sem_alloc : memref<!tpu.dma_semaphore, #tpu.memory_space<semaphore_mem>>
      %dma_start3A = arith.constant 0 : i32
      %dma_start3A_13 = arith.constant 0 : i32
      %dma_start3A_14 = tpu.memref_slice %arg4[%add3A, %dma_start3A, %dma_start3A_13] : memref<32x125x80xi32, #tpu.memory_space<hbm>> -> memref<1x125x80xi32, #tpu.memory_space<hbm>>
      %dma_start3A_15 = tpu.memref_squeeze %dma_start3A_14 : memref<1x125x80xi32, #tpu.memory_space<hbm>> -> memref<125x80xi32, #tpu.memory_space<hbm>>
      %dma_start3A_16 = arith.constant 0 : i32
      %dma_start3A_17 = arith.constant 0 : i32
      %dma_start3A_18 = tpu.memref_slice %arg4[%add3A, %dma_start3A_16, %dma_start3A_17] : memref<32x125x80xi32, #tpu.memory_space<hbm>> -> memref<1x125x80xi32, #tpu.memory_space<hbm>>
      %dma_start3A_19 = tpu.memref_squeeze %dma_start3A_18 : memref<1x125x80xi32, #tpu.memory_space<hbm>> -> memref<125x80xi32, #tpu.memory_space<hbm>>
      tpu.enqueue_dma source(%dma_start3A_19 : memref<125x80xi32, #tpu.memory_space<hbm>>) target(%arg9 : memref<125x80xi32, #tpu.memory_space<vmem>>) target_semaphore(%run_scoped3A : memref<!tpu.dma_semaphore, #tpu.memory_space<semaphore_mem>>)
      %dma_wait3A = arith.constant 0 : i32
      %dma_wait3A_20 = arith.constant 0 : i32
      %dma_wait3A_21 = tpu.memref_slice %arg4[%add3A, %dma_wait3A, %dma_wait3A_20] : memref<32x125x80xi32, #tpu.memory_space<hbm>> -> memref<1x125x80xi32, #tpu.memory_space<hbm>>
      %dma_wait3A_22 = tpu.memref_squeeze %dma_wait3A_21 : memref<1x125x80xi32, #tpu.memory_space<hbm>> -> memref<125x80xi32, #tpu.memory_space<hbm>>
      %dma_wait3A_23 = arith.constant 0 : i32
      %dma_wait3A_24 = arith.constant 0 : i32
      %dma_wait3A_25 = tpu.memref_slice %arg4[%add3A, %dma_wait3A_23, %dma_wait3A_24] : memref<32x125x80xi32, #tpu.memory_space<hbm>> -> memref<1x125x80xi32, #tpu.memory_space<hbm>>
      %dma_wait3A_26 = tpu.memref_squeeze %dma_wait3A_25 : memref<1x125x80xi32, #tpu.memory_space<hbm>> -> memref<125x80xi32, #tpu.memory_space<hbm>>
      tpu.wait_dma2 semaphore(%run_scoped3A : memref<!tpu.dma_semaphore, #tpu.memory_space<semaphore_mem>>) src(%dma_wait3A_26 : memref<125x80xi32, #tpu.memory_space<hbm>>) dst(%arg9 : memref<125x80xi32, #tpu.memory_space<vmem>>)
      tpu.yield
    }) : () -> ()
    %barrier3A = arith.constant 0 : index
    tpu.barrier barrier_id(%barrier3A)
    %scan3A = arith.constant 0 : i32
    %scan3A_3 = arith.constant 0 : i32
    %scan3A_4 = arith.constant 125 : i32
    %scan3A_5 = arith.addi %scan3A_3, %scan3A_4 : i32
    %scan3A_6 = arith.constant 1 : i32
    scf.for %scan3A_13 = %scan3A_3 to %scan3A_5 step %scan3A_6  : i32 {
      %dma_start3A = arith.constant 0 : i32
      %dma_start3A_14 = tpu.memref_slice %arg8[%scan3A_13, %dma_start3A] : memref<125x80xi32, #tpu.memory_space<vmem>> -> memref<1x80xi32, #tpu.memory_space<vmem>>
      %dma_start3A_15 = tpu.memref_squeeze %dma_start3A_14 : memref<1x80xi32, #tpu.memory_space<vmem>> -> memref<80xi32, #tpu.memory_space<vmem>>
      %dma_start3A_16 = arith.constant 0 : i32
      %dma_start3A_17 = arith.constant 0 : i32
      %dma_start3A_18 = tpu.memref_slice %arg2[%dma_start3A_16, %dma_start3A_17] : memref<10000x128xf32, #tpu.memory_space<hbm>> -> memref<10000x128xf32, #tpu.memory_space<hbm>>
      tpu.enqueue_indirect_dma source(%dma_start3A_18 : memref<10000x128xf32, #tpu.memory_space<hbm>>) target(%arg10 : memref<80x128xf32, #tpu.memory_space<vmem>>) offsets(%dma_start3A_15 : memref<80xi32, #tpu.memory_space<vmem>>) semaphore(%arg11 : memref<!tpu.dma_semaphore, #tpu.memory_space<semaphore_mem>>)
      %dma_wait3A = arith.constant 0 : i32
      %dma_wait3A_19 = tpu.memref_slice %arg8[%scan3A_13, %dma_wait3A] : memref<125x80xi32, #tpu.memory_space<vmem>> -> memref<1x80xi32, #tpu.memory_space<vmem>>
      %dma_wait3A_20 = tpu.memref_squeeze %dma_wait3A_19 : memref<1x80xi32, #tpu.memory_space<vmem>> -> memref<80xi32, #tpu.memory_space<vmem>>
      %dma_wait3A_21 = arith.constant 0 : i32
      %dma_wait3A_22 = arith.constant 0 : i32
      %dma_wait3A_23 = tpu.memref_slice %arg2[%dma_wait3A_21, %dma_wait3A_22] : memref<10000x128xf32, #tpu.memory_space<hbm>> -> memref<10000x128xf32, #tpu.memory_space<hbm>>
      tpu.wait_indirect_dma semaphore(%arg11 : memref<!tpu.dma_semaphore, #tpu.memory_space<semaphore_mem>>) src(%dma_wait3A_23 : memref<10000x128xf32, #tpu.memory_space<hbm>>) dst(%arg10 : memref<80x128xf32, #tpu.memory_space<vmem>>)
      "tpu.region"() ({
        %run_scoped3A = tpu.sem_alloc : memref<!tpu.dma_semaphore, #tpu.memory_space<semaphore_mem>>
        %dma_start3A_24 = arith.constant 0 : i32
        %dma_start3A_25 = tpu.memref_slice %arg9[%scan3A_13, %dma_start3A_24] : memref<125x80xi32, #tpu.memory_space<vmem>> -> memref<1x80xi32, #tpu.memory_space<vmem>>
        %dma_start3A_26 = tpu.memref_squeeze %dma_start3A_25 : memref<1x80xi32, #tpu.memory_space<vmem>> -> memref<80xi32, #tpu.memory_space<vmem>>
        %dma_start3A_27 = arith.constant 0 : i32
        %dma_start3A_28 = arith.constant 0 : i32
        %dma_start3A_29 = tpu.memref_slice %arg7[%dma_start3A_27, %dma_start3A_28] : memref<10112x128xf32, #tpu.memory_space<vmem_shared>> -> memref<10112x128xf32, #tpu.memory_space<vmem_shared>>
        tpu.enqueue_indirect_dma source(%arg10 : memref<80x128xf32, #tpu.memory_space<vmem>>) target(%dma_start3A_29 : memref<10112x128xf32, #tpu.memory_space<vmem_shared>>) offsets(%dma_start3A_26 : memref<80xi32, #tpu.memory_space<vmem>>) semaphore(%run_scoped3A : memref<!tpu.dma_semaphore, #tpu.memory_space<semaphore_mem>>) {add = true}
        %dma_wait3A_30 = arith.constant 0 : i32
        %dma_wait3A_31 = tpu.memref_slice %arg9[%scan3A_13, %dma_wait3A_30] : memref<125x80xi32, #tpu.memory_space<vmem>> -> memref<1x80xi32, #tpu.memory_space<vmem>>
        %dma_wait3A_32 = tpu.memref_squeeze %dma_wait3A_31 : memref<1x80xi32, #tpu.memory_space<vmem>> -> memref<80xi32, #tpu.memory_space<vmem>>
        %dma_wait3A_33 = arith.constant 0 : i32
        %dma_wait3A_34 = arith.constant 0 : i32
        %dma_wait3A_35 = tpu.memref_slice %arg7[%dma_wait3A_33, %dma_wait3A_34] : memref<10112x128xf32, #tpu.memory_space<vmem_shared>> -> memref<10112x128xf32, #tpu.memory_space<vmem_shared>>
        tpu.wait_indirect_dma semaphore(%run_scoped3A : memref<!tpu.dma_semaphore, #tpu.memory_space<semaphore_mem>>) src(%arg10 : memref<80x128xf32, #tpu.memory_space<vmem>>) dst(%dma_wait3A_35 : memref<10112x128xf32, #tpu.memory_space<vmem_shared>>)
        tpu.yield
      }) : () -> ()
    }
    %scan3A_7 = arith.constant 125 : i32
    %barrier3A_8 = arith.constant 0 : index
    tpu.barrier barrier_id(%barrier3A_8)
    %mul3A_9 = arith.constant 632 : i32
    %mul3A_10 = arith.muli %arg1, %mul3A_9 : i32
    %mul3A_11 = arith.constant 632 : i32
    %mul3A_12 = arith.muli %arg1, %mul3A_11 : i32
    "tpu.region"() ({
      %run_scoped3A = tpu.sem_alloc : memref<!tpu.dma_semaphore, #tpu.memory_space<semaphore_mem>>
      %dma_start3A = arith.constant 0 : i32
      %dma_start3A_13 = tpu.memref_slice %arg6[%arg0, %mul3A_12, %dma_start3A] : memref<2x10112x128xf32, #tpu.memory_space<hbm>> -> memref<1x632x128xf32, #tpu.memory_space<hbm>>
      %dma_start3A_14 = tpu.memref_squeeze %dma_start3A_13 : memref<1x632x128xf32, #tpu.memory_space<hbm>> -> memref<632x128xf32, #tpu.memory_space<hbm>>
      %dma_start3A_15 = arith.constant 0 : i32
      %dma_start3A_16 = tpu.memref_slice %arg7[%mul3A_10, %dma_start3A_15] : memref<10112x128xf32, #tpu.memory_space<vmem_shared>> -> memref<632x128xf32, #tpu.memory_space<vmem_shared>>
      tpu.enqueue_dma source(%dma_start3A_16 : memref<632x128xf32, #tpu.memory_space<vmem_shared>>) target(%dma_start3A_14 : memref<632x128xf32, #tpu.memory_space<hbm>>) target_semaphore(%run_scoped3A : memref<!tpu.dma_semaphore, #tpu.memory_space<semaphore_mem>>)
      %dma_wait3A = arith.constant 0 : i32
      %dma_wait3A_17 = tpu.memref_slice %arg6[%arg0, %mul3A_12, %dma_wait3A] : memref<2x10112x128xf32, #tpu.memory_space<hbm>> -> memref<1x632x128xf32, #tpu.memory_space<hbm>>
      %dma_wait3A_18 = tpu.memref_squeeze %dma_wait3A_17 : memref<1x632x128xf32, #tpu.memory_space<hbm>> -> memref<632x128xf32, #tpu.memory_space<hbm>>
      %dma_wait3A_19 = arith.constant 0 : i32
      %dma_wait3A_20 = tpu.memref_slice %arg7[%mul3A_10, %dma_wait3A_19] : memref<10112x128xf32, #tpu.memory_space<vmem_shared>> -> memref<632x128xf32, #tpu.memory_space<vmem_shared>>
      tpu.wait_dma2 semaphore(%run_scoped3A : memref<!tpu.dma_semaphore, #tpu.memory_space<semaphore_mem>>) src(%dma_wait3A_20 : memref<632x128xf32, #tpu.memory_space<vmem_shared>>) dst(%dma_wait3A_18 : memref<632x128xf32, #tpu.memory_space<hbm>>)
      tpu.yield
    }) : () -> ()
    return
  }
}

#map = affine_map<(d0, d1) -> (0, 0)>
#map1 = affine_map<(d0, d1) -> (0, 0, 0)>
module attributes {stable_mosaic.version = 14 : i64} {
  func.func @agg_kernel(%arg0: i32, %arg1: i32, %arg2: memref<10000x128xf32, #tpu.memory_space<hbm>>, %arg3: memref<32x125x80xi32, #tpu.memory_space<hbm>>, %arg4: memref<32x125x80xi32, #tpu.memory_space<hbm>>, %arg5: memref<632x128xf32, #tpu.memory_space<hbm>>, %arg6: memref<2x10112x128xf32, #tpu.memory_space<hbm>>, %arg7: memref<10112x128xf32, #tpu.memory_space<vmem_shared>>, %arg8: memref<125x80xi32, #tpu.memory_space<vmem>>, %arg9: memref<125x80xi32, #tpu.memory_space<vmem>>, %arg10: memref<80x128xf32, #tpu.memory_space<vmem>>, %arg11: memref<!tpu.dma_semaphore, #tpu.memory_space<semaphore_mem>>) attributes {dimension_semantics = [#tpu.dimension_semantics<core_parallel>, #tpu.dimension_semantics<subcore_parallel>], iteration_bounds = array<i64: 2, 16>, scalar_prefetch = 0 : i64, scratch_operands = 5 : i64, tpu.core_type = #tpu.core_type<sc_vector_subcore>, window_params = [{transform_indices = #map}, {transform_indices = #map1}, {transform_indices = #map1}, {transform_indices = #map}, {transform_indices = #map1}]} {
    %mul3A = arith.constant 2 : i32
    %mul3A_0 = arith.muli %arg1, %mul3A : i32
    %add3A = arith.addi %mul3A_0, %arg0 : i32
    %mul3A_1 = arith.constant 632 : i32
    %mul3A_2 = arith.muli %arg1, %mul3A_1 : i32
    "tpu.region"() ({
      %run_scoped3A = tpu.sem_alloc : memref<!tpu.dma_semaphore, #tpu.memory_space<semaphore_mem>>
      %dma_start3A = arith.constant 0 : i32
      %dma_start3A_13 = tpu.memref_slice %arg7[%mul3A_2, %dma_start3A] : memref<10112x128xf32, #tpu.memory_space<vmem_shared>> -> memref<632x128xf32, #tpu.memory_space<vmem_shared>>
      tpu.enqueue_dma source(%arg5 : memref<632x128xf32, #tpu.memory_space<hbm>>) target(%dma_start3A_13 : memref<632x128xf32, #tpu.memory_space<vmem_shared>>) target_semaphore(%run_scoped3A : memref<!tpu.dma_semaphore, #tpu.memory_space<semaphore_mem>>)
      %dma_wait3A = arith.constant 0 : i32
      %dma_wait3A_14 = tpu.memref_slice %arg7[%mul3A_2, %dma_wait3A] : memref<10112x128xf32, #tpu.memory_space<vmem_shared>> -> memref<632x128xf32, #tpu.memory_space<vmem_shared>>
      tpu.wait_dma2 semaphore(%run_scoped3A : memref<!tpu.dma_semaphore, #tpu.memory_space<semaphore_mem>>) src(%arg5 : memref<632x128xf32, #tpu.memory_space<hbm>>) dst(%dma_wait3A_14 : memref<632x128xf32, #tpu.memory_space<vmem_shared>>)
      tpu.yield
    }) : () -> ()
    "tpu.region"() ({
      %run_scoped3A = tpu.sem_alloc : memref<!tpu.dma_semaphore, #tpu.memory_space<semaphore_mem>>
      %dma_start3A = arith.constant 0 : i32
      %dma_start3A_13 = arith.constant 0 : i32
      %dma_start3A_14 = tpu.memref_slice %arg3[%add3A, %dma_start3A, %dma_start3A_13] : memref<32x125x80xi32, #tpu.memory_space<hbm>> -> memref<1x125x80xi32, #tpu.memory_space<hbm>>
      %dma_start3A_15 = tpu.memref_squeeze %dma_start3A_14 : memref<1x125x80xi32, #tpu.memory_space<hbm>> -> memref<125x80xi32, #tpu.memory_space<hbm>>
      %dma_start3A_16 = arith.constant 0 : i32
      %dma_start3A_17 = arith.constant 0 : i32
      %dma_start3A_18 = tpu.memref_slice %arg3[%add3A, %dma_start3A_16, %dma_start3A_17] : memref<32x125x80xi32, #tpu.memory_space<hbm>> -> memref<1x125x80xi32, #tpu.memory_space<hbm>>
      %dma_start3A_19 = tpu.memref_squeeze %dma_start3A_18 : memref<1x125x80xi32, #tpu.memory_space<hbm>> -> memref<125x80xi32, #tpu.memory_space<hbm>>
      tpu.enqueue_dma source(%dma_start3A_19 : memref<125x80xi32, #tpu.memory_space<hbm>>) target(%arg8 : memref<125x80xi32, #tpu.memory_space<vmem>>) target_semaphore(%run_scoped3A : memref<!tpu.dma_semaphore, #tpu.memory_space<semaphore_mem>>)
      %dma_wait3A = arith.constant 0 : i32
      %dma_wait3A_20 = arith.constant 0 : i32
      %dma_wait3A_21 = tpu.memref_slice %arg3[%add3A, %dma_wait3A, %dma_wait3A_20] : memref<32x125x80xi32, #tpu.memory_space<hbm>> -> memref<1x125x80xi32, #tpu.memory_space<hbm>>
      %dma_wait3A_22 = tpu.memref_squeeze %dma_wait3A_21 : memref<1x125x80xi32, #tpu.memory_space<hbm>> -> memref<125x80xi32, #tpu.memory_space<hbm>>
      %dma_wait3A_23 = arith.constant 0 : i32
      %dma_wait3A_24 = arith.constant 0 : i32
      %dma_wait3A_25 = tpu.memref_slice %arg3[%add3A, %dma_wait3A_23, %dma_wait3A_24] : memref<32x125x80xi32, #tpu.memory_space<hbm>> -> memref<1x125x80xi32, #tpu.memory_space<hbm>>
      %dma_wait3A_26 = tpu.memref_squeeze %dma_wait3A_25 : memref<1x125x80xi32, #tpu.memory_space<hbm>> -> memref<125x80xi32, #tpu.memory_space<hbm>>
      tpu.wait_dma2 semaphore(%run_scoped3A : memref<!tpu.dma_semaphore, #tpu.memory_space<semaphore_mem>>) src(%dma_wait3A_26 : memref<125x80xi32, #tpu.memory_space<hbm>>) dst(%arg8 : memref<125x80xi32, #tpu.memory_space<vmem>>)
      tpu.yield
    }) : () -> ()
    "tpu.region"() ({
      %run_scoped3A = tpu.sem_alloc : memref<!tpu.dma_semaphore, #tpu.memory_space<semaphore_mem>>
      %dma_start3A = arith.constant 0 : i32
      %dma_start3A_13 = arith.constant 0 : i32
      %dma_start3A_14 = tpu.memref_slice %arg4[%add3A, %dma_start3A, %dma_start3A_13] : memref<32x125x80xi32, #tpu.memory_space<hbm>> -> memref<1x125x80xi32, #tpu.memory_space<hbm>>
      %dma_start3A_15 = tpu.memref_squeeze %dma_start3A_14 : memref<1x125x80xi32, #tpu.memory_space<hbm>> -> memref<125x80xi32, #tpu.memory_space<hbm>>
      %dma_start3A_16 = arith.constant 0 : i32
      %dma_start3A_17 = arith.constant 0 : i32
      %dma_start3A_18 = tpu.memref_slice %arg4[%add3A, %dma_start3A_16, %dma_start3A_17] : memref<32x125x80xi32, #tpu.memory_space<hbm>> -> memref<1x125x80xi32, #tpu.memory_space<hbm>>
      %dma_start3A_19 = tpu.memref_squeeze %dma_start3A_18 : memref<1x125x80xi32, #tpu.memory_space<hbm>> -> memref<125x80xi32, #tpu.memory_space<hbm>>
      tpu.enqueue_dma source(%dma_start3A_19 : memref<125x80xi32, #tpu.memory_space<hbm>>) target(%arg9 : memref<125x80xi32, #tpu.memory_space<vmem>>) target_semaphore(%run_scoped3A : memref<!tpu.dma_semaphore, #tpu.memory_space<semaphore_mem>>)
      %dma_wait3A = arith.constant 0 : i32
      %dma_wait3A_20 = arith.constant 0 : i32
      %dma_wait3A_21 = tpu.memref_slice %arg4[%add3A, %dma_wait3A, %dma_wait3A_20] : memref<32x125x80xi32, #tpu.memory_space<hbm>> -> memref<1x125x80xi32, #tpu.memory_space<hbm>>
      %dma_wait3A_22 = tpu.memref_squeeze %dma_wait3A_21 : memref<1x125x80xi32, #tpu.memory_space<hbm>> -> memref<125x80xi32, #tpu.memory_space<hbm>>
      %dma_wait3A_23 = arith.constant 0 : i32
      %dma_wait3A_24 = arith.constant 0 : i32
      %dma_wait3A_25 = tpu.memref_slice %arg4[%add3A, %dma_wait3A_23, %dma_wait3A_24] : memref<32x125x80xi32, #tpu.memory_space<hbm>> -> memref<1x125x80xi32, #tpu.memory_space<hbm>>
      %dma_wait3A_26 = tpu.memref_squeeze %dma_wait3A_25 : memref<1x125x80xi32, #tpu.memory_space<hbm>> -> memref<125x80xi32, #tpu.memory_space<hbm>>
      tpu.wait_dma2 semaphore(%run_scoped3A : memref<!tpu.dma_semaphore, #tpu.memory_space<semaphore_mem>>) src(%dma_wait3A_26 : memref<125x80xi32, #tpu.memory_space<hbm>>) dst(%arg9 : memref<125x80xi32, #tpu.memory_space<vmem>>)
      tpu.yield
    }) : () -> ()
    %barrier3A = arith.constant 0 : index
    tpu.barrier barrier_id(%barrier3A)
    %scan3A = arith.constant 0 : i32
    %scan3A_3 = arith.constant 0 : i32
    %scan3A_4 = arith.constant 125 : i32
    %scan3A_5 = arith.addi %scan3A_3, %scan3A_4 : i32
    %scan3A_6 = arith.constant 1 : i32
    scf.for %scan3A_13 = %scan3A_3 to %scan3A_5 step %scan3A_6  : i32 {
      %dma_start3A = arith.constant 0 : i32
      %dma_start3A_14 = tpu.memref_slice %arg8[%scan3A_13, %dma_start3A] : memref<125x80xi32, #tpu.memory_space<vmem>> -> memref<1x80xi32, #tpu.memory_space<vmem>>
      %dma_start3A_15 = tpu.memref_squeeze %dma_start3A_14 : memref<1x80xi32, #tpu.memory_space<vmem>> -> memref<80xi32, #tpu.memory_space<vmem>>
      %dma_start3A_16 = arith.constant 0 : i32
      %dma_start3A_17 = arith.constant 0 : i32
      %dma_start3A_18 = tpu.memref_slice %arg2[%dma_start3A_16, %dma_start3A_17] : memref<10000x128xf32, #tpu.memory_space<hbm>> -> memref<10000x128xf32, #tpu.memory_space<hbm>>
      tpu.enqueue_indirect_dma source(%dma_start3A_18 : memref<10000x128xf32, #tpu.memory_space<hbm>>) target(%arg10 : memref<80x128xf32, #tpu.memory_space<vmem>>) offsets(%dma_start3A_15 : memref<80xi32, #tpu.memory_space<vmem>>) semaphore(%arg11 : memref<!tpu.dma_semaphore, #tpu.memory_space<semaphore_mem>>)
      %dma_wait3A = arith.constant 0 : i32
      %dma_wait3A_19 = tpu.memref_slice %arg8[%scan3A_13, %dma_wait3A] : memref<125x80xi32, #tpu.memory_space<vmem>> -> memref<1x80xi32, #tpu.memory_space<vmem>>
      %dma_wait3A_20 = tpu.memref_squeeze %dma_wait3A_19 : memref<1x80xi32, #tpu.memory_space<vmem>> -> memref<80xi32, #tpu.memory_space<vmem>>
      %dma_wait3A_21 = arith.constant 0 : i32
      %dma_wait3A_22 = arith.constant 0 : i32
      %dma_wait3A_23 = tpu.memref_slice %arg2[%dma_wait3A_21, %dma_wait3A_22] : memref<10000x128xf32, #tpu.memory_space<hbm>> -> memref<10000x128xf32, #tpu.memory_space<hbm>>
      tpu.wait_indirect_dma semaphore(%arg11 : memref<!tpu.dma_semaphore, #tpu.memory_space<semaphore_mem>>) src(%dma_wait3A_23 : memref<10000x128xf32, #tpu.memory_space<hbm>>) dst(%arg10 : memref<80x128xf32, #tpu.memory_space<vmem>>)
      "tpu.region"() ({
        %run_scoped3A = tpu.sem_alloc : memref<!tpu.dma_semaphore, #tpu.memory_space<semaphore_mem>>
        %dma_start3A_24 = arith.constant 0 : i32
        %dma_start3A_25 = tpu.memref_slice %arg9[%scan3A_13, %dma_start3A_24] : memref<125x80xi32, #tpu.memory_space<vmem>> -> memref<1x80xi32, #tpu.memory_space<vmem>>
        %dma_start3A_26 = tpu.memref_squeeze %dma_start3A_25 : memref<1x80xi32, #tpu.memory_space<vmem>> -> memref<80xi32, #tpu.memory_space<vmem>>
        %dma_start3A_27 = arith.constant 0 : i32
        %dma_start3A_28 = arith.constant 0 : i32
        %dma_start3A_29 = tpu.memref_slice %arg7[%dma_start3A_27, %dma_start3A_28] : memref<10112x128xf32, #tpu.memory_space<vmem_shared>> -> memref<10112x128xf32, #tpu.memory_space<vmem_shared>>
        tpu.enqueue_indirect_dma source(%arg10 : memref<80x128xf32, #tpu.memory_space<vmem>>) target(%dma_start3A_29 : memref<10112x128xf32, #tpu.memory_space<vmem_shared>>) offsets(%dma_start3A_26 : memref<80xi32, #tpu.memory_space<vmem>>) semaphore(%run_scoped3A : memref<!tpu.dma_semaphore, #tpu.memory_space<semaphore_mem>>) {add = true}
        %dma_wait3A_30 = arith.constant 0 : i32
        %dma_wait3A_31 = tpu.memref_slice %arg9[%scan3A_13, %dma_wait3A_30] : memref<125x80xi32, #tpu.memory_space<vmem>> -> memref<1x80xi32, #tpu.memory_space<vmem>>
        %dma_wait3A_32 = tpu.memref_squeeze %dma_wait3A_31 : memref<1x80xi32, #tpu.memory_space<vmem>> -> memref<80xi32, #tpu.memory_space<vmem>>
        %dma_wait3A_33 = arith.constant 0 : i32
        %dma_wait3A_34 = arith.constant 0 : i32
        %dma_wait3A_35 = tpu.memref_slice %arg7[%dma_wait3A_33, %dma_wait3A_34] : memref<10112x128xf32, #tpu.memory_space<vmem_shared>> -> memref<10112x128xf32, #tpu.memory_space<vmem_shared>>
        tpu.wait_indirect_dma semaphore(%run_scoped3A : memref<!tpu.dma_semaphore, #tpu.memory_space<semaphore_mem>>) src(%arg10 : memref<80x128xf32, #tpu.memory_space<vmem>>) dst(%dma_wait3A_35 : memref<10112x128xf32, #tpu.memory_space<vmem_shared>>)
        tpu.yield
      }) : () -> ()
    }
    %scan3A_7 = arith.constant 125 : i32
    %barrier3A_8 = arith.constant 0 : index
    tpu.barrier barrier_id(%barrier3A_8)
    %mul3A_9 = arith.constant 632 : i32
    %mul3A_10 = arith.muli %arg1, %mul3A_9 : i32
    %mul3A_11 = arith.constant 632 : i32
    %mul3A_12 = arith.muli %arg1, %mul3A_11 : i32
    "tpu.region"() ({
      %run_scoped3A = tpu.sem_alloc : memref<!tpu.dma_semaphore, #tpu.memory_space<semaphore_mem>>
      %dma_start3A = arith.constant 0 : i32
      %dma_start3A_13 = tpu.memref_slice %arg6[%arg0, %mul3A_12, %dma_start3A] : memref<2x10112x128xf32, #tpu.memory_space<hbm>> -> memref<1x632x128xf32, #tpu.memory_space<hbm>>
      %dma_start3A_14 = tpu.memref_squeeze %dma_start3A_13 : memref<1x632x128xf32, #tpu.memory_space<hbm>> -> memref<632x128xf32, #tpu.memory_space<hbm>>
      %dma_start3A_15 = arith.constant 0 : i32
      %dma_start3A_16 = tpu.memref_slice %arg7[%mul3A_10, %dma_start3A_15] : memref<10112x128xf32, #tpu.memory_space<vmem_shared>> -> memref<632x128xf32, #tpu.memory_space<vmem_shared>>
      tpu.enqueue_dma source(%dma_start3A_16 : memref<632x128xf32, #tpu.memory_space<vmem_shared>>) target(%dma_start3A_14 : memref<632x128xf32, #tpu.memory_space<hbm>>) target_semaphore(%run_scoped3A : memref<!tpu.dma_semaphore, #tpu.memory_space<semaphore_mem>>)
      %dma_wait3A = arith.constant 0 : i32
      %dma_wait3A_17 = tpu.memref_slice %arg6[%arg0, %mul3A_12, %dma_wait3A] : memref<2x10112x128xf32, #tpu.memory_space<hbm>> -> memref<1x632x128xf32, #tpu.memory_space<hbm>>
      %dma_wait3A_18 = tpu.memref_squeeze %dma_wait3A_17 : memref<1x632x128xf32, #tpu.memory_space<hbm>> -> memref<632x128xf32, #tpu.memory_space<hbm>>
      %dma_wait3A_19 = arith.constant 0 : i32
      %dma_wait3A_20 = tpu.memref_slice %arg7[%mul3A_10, %dma_wait3A_19] : memref<10112x128xf32, #tpu.memory_space<vmem_shared>> -> memref<632x128xf32, #tpu.memory_space<vmem_shared>>
      tpu.wait_dma2 semaphore(%run_scoped3A : memref<!tpu.dma_semaphore, #tpu.memory_space<semaphore_mem>>) src(%dma_wait3A_20 : memref<632x128xf32, #tpu.memory_space<vmem_shared>>) dst(%dma_wait3A_18 : memref<632x128xf32, #tpu.memory_space<hbm>>)
      tpu.yield
    }) : () -> ()
    return
  }
}

module attributes {stable_mosaic.version = 14 : i64} {
  func.func @_first_body(%arg0: memref<2x10112x16xf32, #tpu.memory_space<vmem>>, %arg1: memref<10000x128xf32, #tpu.memory_space<vmem>>, %arg2: memref<128x128xf32, #tpu.memory_space<vmem>>, %arg3: memref<10000x1xf32, #tpu.memory_space<vmem>>, %arg4: memref<10000x128xf32, #tpu.memory_space<vmem>>) attributes {dimension_semantics = [], scalar_prefetch = 0 : i64, scratch_operands = 0 : i64, tpu.core_type = #tpu.core_type<tc>} {
    %get3A = arith.constant 0 : index
    %get3A_0 = arith.constant 0 : index
    %get3A_1 = arith.constant 0 : index
    %get3A_2 = vector.load %arg0[%get3A, %get3A_0, %get3A_1] : memref<2x10112x16xf32, #tpu.memory_space<vmem>>, vector<1x10112x16xf32>
    %get3A_3 = vector.shape_cast %get3A_2 : vector<1x10112x16xf32> to vector<10112x16xf32>
    %slice3A = vector.extract_strided_slice %get3A_3 {offsets = [0, 0], sizes = [10000, 1], strides = [1, 1]} : vector<10112x16xf32> to vector<10000x1xf32>
    %get3A_4 = arith.constant 1 : index
    %get3A_5 = arith.constant 0 : index
    %get3A_6 = arith.constant 0 : index
    %get3A_7 = vector.load %arg0[%get3A_4, %get3A_5, %get3A_6] : memref<2x10112x16xf32, #tpu.memory_space<vmem>>, vector<1x10112x16xf32>
    %get3A_8 = vector.shape_cast %get3A_7 : vector<1x10112x16xf32> to vector<10112x16xf32>
    %slice3A_9 = vector.extract_strided_slice %get3A_8 {offsets = [0, 0], sizes = [10000, 1], strides = [1, 1]} : vector<10112x16xf32> to vector<10000x1xf32>
    %add3A = arith.addf %slice3A, %slice3A_9 : vector<10000x1xf32>
    %add3A_10 = arith.constant 2.000000e+00 : f32
    %add3A_11 = vector.broadcast %add3A_10 : f32 to vector<10000x1xf32>
    %add3A_12 = arith.addf %add3A, %add3A_11 : vector<10000x1xf32>
    %rsqrt3A = math.rsqrt %add3A_12 : vector<10000x1xf32>
    %swap3A = arith.constant 0 : index
    %swap3A_13 = arith.constant 0 : index
    %swap3A_14 = vector.load %arg3[%swap3A, %swap3A_13] : memref<10000x1xf32, #tpu.memory_space<vmem>>, vector<10000x1xf32>
    tpu.vector_store %arg3[%swap3A, %swap3A_13], %rsqrt3A {strides = array<i32>} : memref<10000x1xf32, #tpu.memory_space<vmem>>, vector<10000x1xf32>,
    %get3A_15 = arith.constant 0 : index
    %get3A_16 = arith.constant 0 : index
    %get3A_17 = vector.load %arg1[%get3A_15, %get3A_16] : memref<10000x128xf32, #tpu.memory_space<vmem>>, vector<10000x128xf32>
    %get3A_18 = arith.constant 0 : index
    %get3A_19 = arith.constant 0 : index
    %get3A_20 = vector.load %arg2[%get3A_18, %get3A_19] : memref<128x128xf32, #tpu.memory_space<vmem>>, vector<128x128xf32>
    %dot_general3A = arith.constant dense<0.000000e+00> : vector<10000x128xf32>
    %dot_general3A_21 = tpu.matmul %get3A_17, %get3A_20, %dot_general3A {dimension_numbers = #tpu.dot_dimension_numbers<[1], [0], [0], [1], [0, 0, 1, 1], [], []>, transpose_lhs_hint = false} : vector<10000x128xf32>, vector<128x128xf32>, vector<10000x128xf32> -> vector<10000x128xf32>
    %mul3A = vector.broadcast %rsqrt3A : vector<10000x1xf32> to vector<10000x128xf32>
    %mul3A_22 = arith.mulf %dot_general3A_21, %mul3A : vector<10000x128xf32>
    %swap3A_23 = arith.constant 0 : index
    %swap3A_24 = arith.constant 0 : index
    %swap3A_25 = vector.load %arg4[%swap3A_23, %swap3A_24] : memref<10000x128xf32, #tpu.memory_space<vmem>>, vector<10000x128xf32>
    tpu.vector_store %arg4[%swap3A_23, %swap3A_24], %mul3A_22 {strides = array<i32>} : memref<10000x128xf32, #tpu.memory_space<vmem>>, vector<10000x128xf32>,
    return
  }
}

module attributes {stable_mosaic.version = 14 : i64} {
  func.func @_block_body(%arg0: memref<2x10112x128xf32, #tpu.memory_space<vmem>>, %arg1: memref<10000x128xf32, #tpu.memory_space<vmem>>, %arg2: memref<10000x1xf32, #tpu.memory_space<vmem>>, %arg3: memref<1x128xf32, #tpu.memory_space<vmem>>, %arg4: memref<1x128xf32, #tpu.memory_space<vmem>>, %arg5: memref<1x128xf32, #tpu.memory_space<vmem>>, %arg6: memref<128x128xf32, #tpu.memory_space<vmem>>, %arg7: memref<1x128xf32, #tpu.memory_space<vmem>>, %arg8: memref<128x128xf32, #tpu.memory_space<vmem>>, %arg9: memref<10000x128xf32, #tpu.memory_space<vmem>>) attributes {dimension_semantics = [], scalar_prefetch = 0 : i64, scratch_operands = 0 : i64, tpu.core_type = #tpu.core_type<tc>} {
    %get3A = arith.constant 0 : index
    %get3A_0 = arith.constant 0 : index
    %get3A_1 = vector.load %arg2[%get3A, %get3A_0] : memref<10000x1xf32, #tpu.memory_space<vmem>>, vector<10000x1xf32>
    %get3A_2 = arith.constant 0 : index
    %get3A_3 = arith.constant 0 : index
    %get3A_4 = arith.constant 0 : index
    %get3A_5 = vector.load %arg0[%get3A_2, %get3A_3, %get3A_4] : memref<2x10112x128xf32, #tpu.memory_space<vmem>>, vector<1x10112x128xf32>
    %get3A_6 = vector.shape_cast %get3A_5 : vector<1x10112x128xf32> to vector<10112x128xf32>
    %slice3A = vector.extract_strided_slice %get3A_6 {offsets = [0, 0], sizes = [10000, 128], strides = [1, 1]} : vector<10112x128xf32> to vector<10000x128xf32>
    %get3A_7 = arith.constant 1 : index
    %get3A_8 = arith.constant 0 : index
    %get3A_9 = arith.constant 0 : index
    %get3A_10 = vector.load %arg0[%get3A_7, %get3A_8, %get3A_9] : memref<2x10112x128xf32, #tpu.memory_space<vmem>>, vector<1x10112x128xf32>
    %get3A_11 = vector.shape_cast %get3A_10 : vector<1x10112x128xf32> to vector<10112x128xf32>
    %slice3A_12 = vector.extract_strided_slice %get3A_11 {offsets = [0, 0], sizes = [10000, 128], strides = [1, 1]} : vector<10112x128xf32> to vector<10000x128xf32>
    %add3A = arith.addf %slice3A, %slice3A_12 : vector<10000x128xf32>
    %get3A_13 = arith.constant 0 : index
    %get3A_14 = arith.constant 0 : index
    %get3A_15 = vector.load %arg1[%get3A_13, %get3A_14] : memref<10000x128xf32, #tpu.memory_space<vmem>>, vector<10000x128xf32>
    %mul3A = arith.constant 2.000000e+00 : f32
    %mul3A_16 = vector.broadcast %mul3A : f32 to vector<10000x128xf32>
    %mul3A_17 = arith.mulf %mul3A_16, %get3A_15 : vector<10000x128xf32>
    %add3A_18 = arith.addf %add3A, %mul3A_17 : vector<10000x128xf32>
    %mul3A_19 = vector.broadcast %get3A_1 : vector<10000x1xf32> to vector<10000x128xf32>
    %mul3A_20 = arith.mulf %mul3A_19, %add3A_18 : vector<10000x128xf32>
    %get3A_21 = arith.constant 0 : index
    %get3A_22 = arith.constant 0 : index
    %get3A_23 = vector.load %arg3[%get3A_21, %get3A_22] : memref<1x128xf32, #tpu.memory_space<vmem>>, vector<1x128xf32>
    %add3A_24 = vector.broadcast %get3A_23 : vector<1x128xf32> to vector<10000x128xf32>
    %add3A_25 = arith.addf %mul3A_20, %add3A_24 : vector<10000x128xf32>
    %reduce_sum3A = arith.constant dense<0.000000e+00> : vector<128xf32>
    %reduce_sum3A_26 = vector.multi_reduction <add>, %add3A_25, %reduce_sum3A [0] : vector<10000x128xf32> to vector<128xf32>
    %broadcast_in_dim3A = vector.shape_cast %reduce_sum3A_26 : vector<128xf32> to vector<1x128xf32>
    %div3A = arith.constant 1.000000e+04 : f32
    %div3A_27 = vector.broadcast %div3A : f32 to vector<1x128xf32>
    %div3A_28 = arith.divf %broadcast_in_dim3A, %div3A_27 : vector<1x128xf32>
    %mul3A_29 = arith.mulf %add3A_25, %add3A_25 : vector<10000x128xf32>
    %reduce_sum3A_30 = arith.constant dense<0.000000e+00> : vector<128xf32>
    %reduce_sum3A_31 = vector.multi_reduction <add>, %mul3A_29, %reduce_sum3A_30 [0] : vector<10000x128xf32> to vector<128xf32>
    %broadcast_in_dim3A_32 = vector.shape_cast %reduce_sum3A_31 : vector<128xf32> to vector<1x128xf32>
    %div3A_33 = arith.constant 1.000000e+04 : f32
    %div3A_34 = vector.broadcast %div3A_33 : f32 to vector<1x128xf32>
    %div3A_35 = arith.divf %broadcast_in_dim3A_32, %div3A_34 : vector<1x128xf32>
    %mul3A_36 = arith.mulf %div3A_28, %div3A_28 : vector<1x128xf32>
    %sub3A = arith.subf %div3A_35, %mul3A_36 : vector<1x128xf32>
    %get3A_37 = arith.constant 0 : index
    %get3A_38 = arith.constant 0 : index
    %get3A_39 = vector.load %arg4[%get3A_37, %get3A_38] : memref<1x128xf32, #tpu.memory_space<vmem>>, vector<1x128xf32>
    %sub3A_40 = vector.broadcast %div3A_28 : vector<1x128xf32> to vector<10000x128xf32>
    %sub3A_41 = arith.subf %add3A_25, %sub3A_40 : vector<10000x128xf32>
    %add3A_42 = arith.constant 9.99999974E-6 : f32
    %add3A_43 = vector.broadcast %add3A_42 : f32 to vector<1x128xf32>
    %add3A_44 = arith.addf %sub3A, %add3A_43 : vector<1x128xf32>
    %rsqrt3A = math.rsqrt %add3A_44 : vector<1x128xf32>
    %mul3A_45 = vector.broadcast %rsqrt3A : vector<1x128xf32> to vector<10000x128xf32>
    %mul3A_46 = arith.mulf %sub3A_41, %mul3A_45 : vector<10000x128xf32>
    %mul3A_47 = vector.broadcast %get3A_39 : vector<1x128xf32> to vector<10000x128xf32>
    %mul3A_48 = arith.mulf %mul3A_47, %mul3A_46 : vector<10000x128xf32>
    %get3A_49 = arith.constant 0 : index
    %get3A_50 = arith.constant 0 : index
    %get3A_51 = vector.load %arg5[%get3A_49, %get3A_50] : memref<1x128xf32, #tpu.memory_space<vmem>>, vector<1x128xf32>
    %add3A_52 = vector.broadcast %get3A_51 : vector<1x128xf32> to vector<10000x128xf32>
    %add3A_53 = arith.addf %mul3A_48, %add3A_52 : vector<10000x128xf32>
    %broadcast_in_dim3A_54 = arith.constant 0xFF800000 : f32
    %broadcast_in_dim3A_55 = vector.broadcast %broadcast_in_dim3A_54 : f32 to vector<10000x1xf32>
    %slice3A_56 = vector.extract_strided_slice %add3A_53 {offsets = [0, 0], sizes = [10000, 127], strides = [1, 1]} : vector<10000x128xf32> to vector<10000x127xf32>
    %concatenate3A = tpu.concatenate %broadcast_in_dim3A_55, %slice3A_56 in 1 : vector<10000x1xf32>, vector<10000x127xf32> -> vector<10000x128xf32>
    %max3A = arith.maximumf %add3A_53, %concatenate3A : vector<10000x128xf32>
    %slice3A_57 = vector.extract_strided_slice %add3A_53 {offsets = [0, 1], sizes = [10000, 127], strides = [1, 1]} : vector<10000x128xf32> to vector<10000x127xf32>
    %concatenate3A_58 = tpu.concatenate %slice3A_57, %broadcast_in_dim3A_55 in 1 : vector<10000x127xf32>, vector<10000x1xf32> -> vector<10000x128xf32>
    %max3A_59 = arith.maximumf %max3A, %concatenate3A_58 : vector<10000x128xf32>
    %gt3A = arith.constant 0.000000e+00 : f32
    %gt3A_60 = vector.broadcast %gt3A : f32 to vector<10000x128xf32>
    %gt3A_61 = arith.cmpf ogt, %max3A_59, %gt3A_60 : vector<10000x128xf32>
    %mul3A_62 = arith.constant 0.00999999977 : f32
    %mul3A_63 = vector.broadcast %mul3A_62 : f32 to vector<10000x128xf32>
    %mul3A_64 = arith.mulf %mul3A_63, %max3A_59 : vector<10000x128xf32>
    %select_n3A = arith.select %gt3A_61, %max3A_59, %mul3A_64 : vector<10000x128xi1>, vector<10000x128xf32>
    %get3A_65 = arith.constant 0 : index
    %get3A_66 = arith.constant 0 : index
    %get3A_67 = vector.load %arg6[%get3A_65, %get3A_66] : memref<128x128xf32, #tpu.memory_space<vmem>>, vector<128x128xf32>
    %dot_general3A = arith.constant dense<0.000000e+00> : vector<10000x128xf32>
    %dot_general3A_68 = tpu.matmul %select_n3A, %get3A_67, %dot_general3A {dimension_numbers = #tpu.dot_dimension_numbers<[1], [0], [0], [1], [0, 0, 1, 1], [], []>, transpose_lhs_hint = false} : vector<10000x128xf32>, vector<128x128xf32>, vector<10000x128xf32> -> vector<10000x128xf32>
    %get3A_69 = arith.constant 0 : index
    %get3A_70 = arith.constant 0 : index
    %get3A_71 = vector.load %arg7[%get3A_69, %get3A_70] : memref<1x128xf32, #tpu.memory_space<vmem>>, vector<1x128xf32>
    %add3A_72 = vector.broadcast %get3A_71 : vector<1x128xf32> to vector<10000x128xf32>
    %add3A_73 = arith.addf %dot_general3A_68, %add3A_72 : vector<10000x128xf32>
    %gt3A_74 = arith.constant 0.000000e+00 : f32
    %gt3A_75 = vector.broadcast %gt3A_74 : f32 to vector<10000x128xf32>
    %gt3A_76 = arith.cmpf ogt, %add3A_73, %gt3A_75 : vector<10000x128xf32>
    %mul3A_77 = arith.constant 0.00999999977 : f32
    %mul3A_78 = vector.broadcast %mul3A_77 : f32 to vector<10000x128xf32>
    %mul3A_79 = arith.mulf %mul3A_78, %add3A_73 : vector<10000x128xf32>
    %select_n3A_80 = arith.select %gt3A_76, %add3A_73, %mul3A_79 : vector<10000x128xi1>, vector<10000x128xf32>
    %get3A_81 = arith.constant 0 : index
    %get3A_82 = arith.constant 0 : index
    %get3A_83 = vector.load %arg8[%get3A_81, %get3A_82] : memref<128x128xf32, #tpu.memory_space<vmem>>, vector<128x128xf32>
    %dot_general3A_84 = arith.constant dense<0.000000e+00> : vector<10000x128xf32>
    %dot_general3A_85 = tpu.matmul %select_n3A_80, %get3A_83, %dot_general3A_84 {dimension_numbers = #tpu.dot_dimension_numbers<[1], [0], [0], [1], [0, 0, 1, 1], [], []>, transpose_lhs_hint = false} : vector<10000x128xf32>, vector<128x128xf32>, vector<10000x128xf32> -> vector<10000x128xf32>
    %mul3A_86 = vector.broadcast %get3A_1 : vector<10000x1xf32> to vector<10000x128xf32>
    %mul3A_87 = arith.mulf %mul3A_86, %dot_general3A_85 : vector<10000x128xf32>
    %swap3A = arith.constant 0 : index
    %swap3A_88 = arith.constant 0 : index
    %swap3A_89 = vector.load %arg9[%swap3A, %swap3A_88] : memref<10000x128xf32, #tpu.memory_space<vmem>>, vector<10000x128xf32>
    tpu.vector_store %arg9[%swap3A, %swap3A_88], %mul3A_87 {strides = array<i32>} : memref<10000x128xf32, #tpu.memory_space<vmem>>, vector<10000x128xf32>,
    return
  }
}

module attributes {stable_mosaic.version = 14 : i64} {
  func.func @_block_body(%arg0: memref<2x10112x128xf32, #tpu.memory_space<vmem>>, %arg1: memref<10000x128xf32, #tpu.memory_space<vmem>>, %arg2: memref<10000x1xf32, #tpu.memory_space<vmem>>, %arg3: memref<1x128xf32, #tpu.memory_space<vmem>>, %arg4: memref<1x128xf32, #tpu.memory_space<vmem>>, %arg5: memref<1x128xf32, #tpu.memory_space<vmem>>, %arg6: memref<128x128xf32, #tpu.memory_space<vmem>>, %arg7: memref<1x128xf32, #tpu.memory_space<vmem>>, %arg8: memref<128x128xf32, #tpu.memory_space<vmem>>, %arg9: memref<10000x128xf32, #tpu.memory_space<vmem>>) attributes {dimension_semantics = [], scalar_prefetch = 0 : i64, scratch_operands = 0 : i64, tpu.core_type = #tpu.core_type<tc>} {
    %get3A = arith.constant 0 : index
    %get3A_0 = arith.constant 0 : index
    %get3A_1 = vector.load %arg2[%get3A, %get3A_0] : memref<10000x1xf32, #tpu.memory_space<vmem>>, vector<10000x1xf32>
    %get3A_2 = arith.constant 0 : index
    %get3A_3 = arith.constant 0 : index
    %get3A_4 = arith.constant 0 : index
    %get3A_5 = vector.load %arg0[%get3A_2, %get3A_3, %get3A_4] : memref<2x10112x128xf32, #tpu.memory_space<vmem>>, vector<1x10112x128xf32>
    %get3A_6 = vector.shape_cast %get3A_5 : vector<1x10112x128xf32> to vector<10112x128xf32>
    %slice3A = vector.extract_strided_slice %get3A_6 {offsets = [0, 0], sizes = [10000, 128], strides = [1, 1]} : vector<10112x128xf32> to vector<10000x128xf32>
    %get3A_7 = arith.constant 1 : index
    %get3A_8 = arith.constant 0 : index
    %get3A_9 = arith.constant 0 : index
    %get3A_10 = vector.load %arg0[%get3A_7, %get3A_8, %get3A_9] : memref<2x10112x128xf32, #tpu.memory_space<vmem>>, vector<1x10112x128xf32>
    %get3A_11 = vector.shape_cast %get3A_10 : vector<1x10112x128xf32> to vector<10112x128xf32>
    %slice3A_12 = vector.extract_strided_slice %get3A_11 {offsets = [0, 0], sizes = [10000, 128], strides = [1, 1]} : vector<10112x128xf32> to vector<10000x128xf32>
    %add3A = arith.addf %slice3A, %slice3A_12 : vector<10000x128xf32>
    %get3A_13 = arith.constant 0 : index
    %get3A_14 = arith.constant 0 : index
    %get3A_15 = vector.load %arg1[%get3A_13, %get3A_14] : memref<10000x128xf32, #tpu.memory_space<vmem>>, vector<10000x128xf32>
    %mul3A = arith.constant 2.000000e+00 : f32
    %mul3A_16 = vector.broadcast %mul3A : f32 to vector<10000x128xf32>
    %mul3A_17 = arith.mulf %mul3A_16, %get3A_15 : vector<10000x128xf32>
    %add3A_18 = arith.addf %add3A, %mul3A_17 : vector<10000x128xf32>
    %mul3A_19 = vector.broadcast %get3A_1 : vector<10000x1xf32> to vector<10000x128xf32>
    %mul3A_20 = arith.mulf %mul3A_19, %add3A_18 : vector<10000x128xf32>
    %get3A_21 = arith.constant 0 : index
    %get3A_22 = arith.constant 0 : index
    %get3A_23 = vector.load %arg3[%get3A_21, %get3A_22] : memref<1x128xf32, #tpu.memory_space<vmem>>, vector<1x128xf32>
    %add3A_24 = vector.broadcast %get3A_23 : vector<1x128xf32> to vector<10000x128xf32>
    %add3A_25 = arith.addf %mul3A_20, %add3A_24 : vector<10000x128xf32>
    %reduce_sum3A = arith.constant dense<0.000000e+00> : vector<128xf32>
    %reduce_sum3A_26 = vector.multi_reduction <add>, %add3A_25, %reduce_sum3A [0] : vector<10000x128xf32> to vector<128xf32>
    %broadcast_in_dim3A = vector.shape_cast %reduce_sum3A_26 : vector<128xf32> to vector<1x128xf32>
    %div3A = arith.constant 1.000000e+04 : f32
    %div3A_27 = vector.broadcast %div3A : f32 to vector<1x128xf32>
    %div3A_28 = arith.divf %broadcast_in_dim3A, %div3A_27 : vector<1x128xf32>
    %mul3A_29 = arith.mulf %add3A_25, %add3A_25 : vector<10000x128xf32>
    %reduce_sum3A_30 = arith.constant dense<0.000000e+00> : vector<128xf32>
    %reduce_sum3A_31 = vector.multi_reduction <add>, %mul3A_29, %reduce_sum3A_30 [0] : vector<10000x128xf32> to vector<128xf32>
    %broadcast_in_dim3A_32 = vector.shape_cast %reduce_sum3A_31 : vector<128xf32> to vector<1x128xf32>
    %div3A_33 = arith.constant 1.000000e+04 : f32
    %div3A_34 = vector.broadcast %div3A_33 : f32 to vector<1x128xf32>
    %div3A_35 = arith.divf %broadcast_in_dim3A_32, %div3A_34 : vector<1x128xf32>
    %mul3A_36 = arith.mulf %div3A_28, %div3A_28 : vector<1x128xf32>
    %sub3A = arith.subf %div3A_35, %mul3A_36 : vector<1x128xf32>
    %get3A_37 = arith.constant 0 : index
    %get3A_38 = arith.constant 0 : index
    %get3A_39 = vector.load %arg4[%get3A_37, %get3A_38] : memref<1x128xf32, #tpu.memory_space<vmem>>, vector<1x128xf32>
    %sub3A_40 = vector.broadcast %div3A_28 : vector<1x128xf32> to vector<10000x128xf32>
    %sub3A_41 = arith.subf %add3A_25, %sub3A_40 : vector<10000x128xf32>
    %add3A_42 = arith.constant 9.99999974E-6 : f32
    %add3A_43 = vector.broadcast %add3A_42 : f32 to vector<1x128xf32>
    %add3A_44 = arith.addf %sub3A, %add3A_43 : vector<1x128xf32>
    %rsqrt3A = math.rsqrt %add3A_44 : vector<1x128xf32>
    %mul3A_45 = vector.broadcast %rsqrt3A : vector<1x128xf32> to vector<10000x128xf32>
    %mul3A_46 = arith.mulf %sub3A_41, %mul3A_45 : vector<10000x128xf32>
    %mul3A_47 = vector.broadcast %get3A_39 : vector<1x128xf32> to vector<10000x128xf32>
    %mul3A_48 = arith.mulf %mul3A_47, %mul3A_46 : vector<10000x128xf32>
    %get3A_49 = arith.constant 0 : index
    %get3A_50 = arith.constant 0 : index
    %get3A_51 = vector.load %arg5[%get3A_49, %get3A_50] : memref<1x128xf32, #tpu.memory_space<vmem>>, vector<1x128xf32>
    %add3A_52 = vector.broadcast %get3A_51 : vector<1x128xf32> to vector<10000x128xf32>
    %add3A_53 = arith.addf %mul3A_48, %add3A_52 : vector<10000x128xf32>
    %broadcast_in_dim3A_54 = arith.constant 0xFF800000 : f32
    %broadcast_in_dim3A_55 = vector.broadcast %broadcast_in_dim3A_54 : f32 to vector<10000x1xf32>
    %slice3A_56 = vector.extract_strided_slice %add3A_53 {offsets = [0, 0], sizes = [10000, 127], strides = [1, 1]} : vector<10000x128xf32> to vector<10000x127xf32>
    %concatenate3A = tpu.concatenate %broadcast_in_dim3A_55, %slice3A_56 in 1 : vector<10000x1xf32>, vector<10000x127xf32> -> vector<10000x128xf32>
    %max3A = arith.maximumf %add3A_53, %concatenate3A : vector<10000x128xf32>
    %slice3A_57 = vector.extract_strided_slice %add3A_53 {offsets = [0, 1], sizes = [10000, 127], strides = [1, 1]} : vector<10000x128xf32> to vector<10000x127xf32>
    %concatenate3A_58 = tpu.concatenate %slice3A_57, %broadcast_in_dim3A_55 in 1 : vector<10000x127xf32>, vector<10000x1xf32> -> vector<10000x128xf32>
    %max3A_59 = arith.maximumf %max3A, %concatenate3A_58 : vector<10000x128xf32>
    %broadcast_in_dim3A_60 = arith.constant 0xFF800000 : f32
    %broadcast_in_dim3A_61 = vector.broadcast %broadcast_in_dim3A_60 : f32 to vector<10000x2xf32>
    %slice3A_62 = vector.extract_strided_slice %add3A_53 {offsets = [0, 0], sizes = [10000, 126], strides = [1, 1]} : vector<10000x128xf32> to vector<10000x126xf32>
    %concatenate3A_63 = tpu.concatenate %broadcast_in_dim3A_61, %slice3A_62 in 1 : vector<10000x2xf32>, vector<10000x126xf32> -> vector<10000x128xf32>
    %max3A_64 = arith.maximumf %max3A_59, %concatenate3A_63 : vector<10000x128xf32>
    %slice3A_65 = vector.extract_strided_slice %add3A_53 {offsets = [0, 2], sizes = [10000, 126], strides = [1, 1]} : vector<10000x128xf32> to vector<10000x126xf32>
    %concatenate3A_66 = tpu.concatenate %slice3A_65, %broadcast_in_dim3A_61 in 1 : vector<10000x126xf32>, vector<10000x2xf32> -> vector<10000x128xf32>
    %max3A_67 = arith.maximumf %max3A_64, %concatenate3A_66 : vector<10000x128xf32>
    %gt3A = arith.constant 0.000000e+00 : f32
    %gt3A_68 = vector.broadcast %gt3A : f32 to vector<10000x128xf32>
    %gt3A_69 = arith.cmpf ogt, %max3A_67, %gt3A_68 : vector<10000x128xf32>
    %mul3A_70 = arith.constant 0.00999999977 : f32
    %mul3A_71 = vector.broadcast %mul3A_70 : f32 to vector<10000x128xf32>
    %mul3A_72 = arith.mulf %mul3A_71, %max3A_67 : vector<10000x128xf32>
    %select_n3A = arith.select %gt3A_69, %max3A_67, %mul3A_72 : vector<10000x128xi1>, vector<10000x128xf32>
    %get3A_73 = arith.constant 0 : index
    %get3A_74 = arith.constant 0 : index
    %get3A_75 = vector.load %arg6[%get3A_73, %get3A_74] : memref<128x128xf32, #tpu.memory_space<vmem>>, vector<128x128xf32>
    %dot_general3A = arith.constant dense<0.000000e+00> : vector<10000x128xf32>
    %dot_general3A_76 = tpu.matmul %select_n3A, %get3A_75, %dot_general3A {dimension_numbers = #tpu.dot_dimension_numbers<[1], [0], [0], [1], [0, 0, 1, 1], [], []>, transpose_lhs_hint = false} : vector<10000x128xf32>, vector<128x128xf32>, vector<10000x128xf32> -> vector<10000x128xf32>
    %get3A_77 = arith.constant 0 : index
    %get3A_78 = arith.constant 0 : index
    %get3A_79 = vector.load %arg7[%get3A_77, %get3A_78] : memref<1x128xf32, #tpu.memory_space<vmem>>, vector<1x128xf32>
    %add3A_80 = vector.broadcast %get3A_79 : vector<1x128xf32> to vector<10000x128xf32>
    %add3A_81 = arith.addf %dot_general3A_76, %add3A_80 : vector<10000x128xf32>
    %gt3A_82 = arith.constant 0.000000e+00 : f32
    %gt3A_83 = vector.broadcast %gt3A_82 : f32 to vector<10000x128xf32>
    %gt3A_84 = arith.cmpf ogt, %add3A_81, %gt3A_83 : vector<10000x128xf32>
    %mul3A_85 = arith.constant 0.00999999977 : f32
    %mul3A_86 = vector.broadcast %mul3A_85 : f32 to vector<10000x128xf32>
    %mul3A_87 = arith.mulf %mul3A_86, %add3A_81 : vector<10000x128xf32>
    %select_n3A_88 = arith.select %gt3A_84, %add3A_81, %mul3A_87 : vector<10000x128xi1>, vector<10000x128xf32>
    %get3A_89 = arith.constant 0 : index
    %get3A_90 = arith.constant 0 : index
    %get3A_91 = vector.load %arg8[%get3A_89, %get3A_90] : memref<128x128xf32, #tpu.memory_space<vmem>>, vector<128x128xf32>
    %dot_general3A_92 = arith.constant dense<0.000000e+00> : vector<10000x128xf32>
    %dot_general3A_93 = tpu.matmul %select_n3A_88, %get3A_91, %dot_general3A_92 {dimension_numbers = #tpu.dot_dimension_numbers<[1], [0], [0], [1], [0, 0, 1, 1], [], []>, transpose_lhs_hint = false} : vector<10000x128xf32>, vector<128x128xf32>, vector<10000x128xf32> -> vector<10000x128xf32>
    %mul3A_94 = vector.broadcast %get3A_1 : vector<10000x1xf32> to vector<10000x128xf32>
    %mul3A_95 = arith.mulf %mul3A_94, %dot_general3A_93 : vector<10000x128xf32>
    %swap3A = arith.constant 0 : index
    %swap3A_96 = arith.constant 0 : index
    %swap3A_97 = vector.load %arg9[%swap3A, %swap3A_96] : memref<10000x128xf32, #tpu.memory_space<vmem>>, vector<10000x128xf32>
    tpu.vector_store %arg9[%swap3A, %swap3A_96], %mul3A_95 {strides = array<i32>} : memref<10000x128xf32, #tpu.memory_space<vmem>>, vector<10000x128xf32>,
    return
  }
}

module attributes {stable_mosaic.version = 14 : i64} {
  func.func @_block_body(%arg0: memref<2x10112x128xf32, #tpu.memory_space<vmem>>, %arg1: memref<10000x128xf32, #tpu.memory_space<vmem>>, %arg2: memref<10000x1xf32, #tpu.memory_space<vmem>>, %arg3: memref<1x128xf32, #tpu.memory_space<vmem>>, %arg4: memref<1x128xf32, #tpu.memory_space<vmem>>, %arg5: memref<1x128xf32, #tpu.memory_space<vmem>>, %arg6: memref<128x128xf32, #tpu.memory_space<vmem>>, %arg7: memref<1x128xf32, #tpu.memory_space<vmem>>, %arg8: memref<128x128xf32, #tpu.memory_space<vmem>>, %arg9: memref<10000x128xf32, #tpu.memory_space<vmem>>) attributes {dimension_semantics = [], scalar_prefetch = 0 : i64, scratch_operands = 0 : i64, tpu.core_type = #tpu.core_type<tc>} {
    %get3A = arith.constant 0 : index
    %get3A_0 = arith.constant 0 : index
    %get3A_1 = vector.load %arg2[%get3A, %get3A_0] : memref<10000x1xf32, #tpu.memory_space<vmem>>, vector<10000x1xf32>
    %get3A_2 = arith.constant 0 : index
    %get3A_3 = arith.constant 0 : index
    %get3A_4 = arith.constant 0 : index
    %get3A_5 = vector.load %arg0[%get3A_2, %get3A_3, %get3A_4] : memref<2x10112x128xf32, #tpu.memory_space<vmem>>, vector<1x10112x128xf32>
    %get3A_6 = vector.shape_cast %get3A_5 : vector<1x10112x128xf32> to vector<10112x128xf32>
    %slice3A = vector.extract_strided_slice %get3A_6 {offsets = [0, 0], sizes = [10000, 128], strides = [1, 1]} : vector<10112x128xf32> to vector<10000x128xf32>
    %get3A_7 = arith.constant 1 : index
    %get3A_8 = arith.constant 0 : index
    %get3A_9 = arith.constant 0 : index
    %get3A_10 = vector.load %arg0[%get3A_7, %get3A_8, %get3A_9] : memref<2x10112x128xf32, #tpu.memory_space<vmem>>, vector<1x10112x128xf32>
    %get3A_11 = vector.shape_cast %get3A_10 : vector<1x10112x128xf32> to vector<10112x128xf32>
    %slice3A_12 = vector.extract_strided_slice %get3A_11 {offsets = [0, 0], sizes = [10000, 128], strides = [1, 1]} : vector<10112x128xf32> to vector<10000x128xf32>
    %add3A = arith.addf %slice3A, %slice3A_12 : vector<10000x128xf32>
    %get3A_13 = arith.constant 0 : index
    %get3A_14 = arith.constant 0 : index
    %get3A_15 = vector.load %arg1[%get3A_13, %get3A_14] : memref<10000x128xf32, #tpu.memory_space<vmem>>, vector<10000x128xf32>
    %mul3A = arith.constant 2.000000e+00 : f32
    %mul3A_16 = vector.broadcast %mul3A : f32 to vector<10000x128xf32>
    %mul3A_17 = arith.mulf %mul3A_16, %get3A_15 : vector<10000x128xf32>
    %add3A_18 = arith.addf %add3A, %mul3A_17 : vector<10000x128xf32>
    %mul3A_19 = vector.broadcast %get3A_1 : vector<10000x1xf32> to vector<10000x128xf32>
    %mul3A_20 = arith.mulf %mul3A_19, %add3A_18 : vector<10000x128xf32>
    %get3A_21 = arith.constant 0 : index
    %get3A_22 = arith.constant 0 : index
    %get3A_23 = vector.load %arg3[%get3A_21, %get3A_22] : memref<1x128xf32, #tpu.memory_space<vmem>>, vector<1x128xf32>
    %add3A_24 = vector.broadcast %get3A_23 : vector<1x128xf32> to vector<10000x128xf32>
    %add3A_25 = arith.addf %mul3A_20, %add3A_24 : vector<10000x128xf32>
    %reduce_sum3A = arith.constant dense<0.000000e+00> : vector<128xf32>
    %reduce_sum3A_26 = vector.multi_reduction <add>, %add3A_25, %reduce_sum3A [0] : vector<10000x128xf32> to vector<128xf32>
    %broadcast_in_dim3A = vector.shape_cast %reduce_sum3A_26 : vector<128xf32> to vector<1x128xf32>
    %div3A = arith.constant 1.000000e+04 : f32
    %div3A_27 = vector.broadcast %div3A : f32 to vector<1x128xf32>
    %div3A_28 = arith.divf %broadcast_in_dim3A, %div3A_27 : vector<1x128xf32>
    %mul3A_29 = arith.mulf %add3A_25, %add3A_25 : vector<10000x128xf32>
    %reduce_sum3A_30 = arith.constant dense<0.000000e+00> : vector<128xf32>
    %reduce_sum3A_31 = vector.multi_reduction <add>, %mul3A_29, %reduce_sum3A_30 [0] : vector<10000x128xf32> to vector<128xf32>
    %broadcast_in_dim3A_32 = vector.shape_cast %reduce_sum3A_31 : vector<128xf32> to vector<1x128xf32>
    %div3A_33 = arith.constant 1.000000e+04 : f32
    %div3A_34 = vector.broadcast %div3A_33 : f32 to vector<1x128xf32>
    %div3A_35 = arith.divf %broadcast_in_dim3A_32, %div3A_34 : vector<1x128xf32>
    %mul3A_36 = arith.mulf %div3A_28, %div3A_28 : vector<1x128xf32>
    %sub3A = arith.subf %div3A_35, %mul3A_36 : vector<1x128xf32>
    %get3A_37 = arith.constant 0 : index
    %get3A_38 = arith.constant 0 : index
    %get3A_39 = vector.load %arg4[%get3A_37, %get3A_38] : memref<1x128xf32, #tpu.memory_space<vmem>>, vector<1x128xf32>
    %sub3A_40 = vector.broadcast %div3A_28 : vector<1x128xf32> to vector<10000x128xf32>
    %sub3A_41 = arith.subf %add3A_25, %sub3A_40 : vector<10000x128xf32>
    %add3A_42 = arith.constant 9.99999974E-6 : f32
    %add3A_43 = vector.broadcast %add3A_42 : f32 to vector<1x128xf32>
    %add3A_44 = arith.addf %sub3A, %add3A_43 : vector<1x128xf32>
    %rsqrt3A = math.rsqrt %add3A_44 : vector<1x128xf32>
    %mul3A_45 = vector.broadcast %rsqrt3A : vector<1x128xf32> to vector<10000x128xf32>
    %mul3A_46 = arith.mulf %sub3A_41, %mul3A_45 : vector<10000x128xf32>
    %mul3A_47 = vector.broadcast %get3A_39 : vector<1x128xf32> to vector<10000x128xf32>
    %mul3A_48 = arith.mulf %mul3A_47, %mul3A_46 : vector<10000x128xf32>
    %get3A_49 = arith.constant 0 : index
    %get3A_50 = arith.constant 0 : index
    %get3A_51 = vector.load %arg5[%get3A_49, %get3A_50] : memref<1x128xf32, #tpu.memory_space<vmem>>, vector<1x128xf32>
    %add3A_52 = vector.broadcast %get3A_51 : vector<1x128xf32> to vector<10000x128xf32>
    %add3A_53 = arith.addf %mul3A_48, %add3A_52 : vector<10000x128xf32>
    %broadcast_in_dim3A_54 = arith.constant 0xFF800000 : f32
    %broadcast_in_dim3A_55 = vector.broadcast %broadcast_in_dim3A_54 : f32 to vector<10000x1xf32>
    %slice3A_56 = vector.extract_strided_slice %add3A_53 {offsets = [0, 0], sizes = [10000, 127], strides = [1, 1]} : vector<10000x128xf32> to vector<10000x127xf32>
    %concatenate3A = tpu.concatenate %broadcast_in_dim3A_55, %slice3A_56 in 1 : vector<10000x1xf32>, vector<10000x127xf32> -> vector<10000x128xf32>
    %max3A = arith.maximumf %add3A_53, %concatenate3A : vector<10000x128xf32>
    %slice3A_57 = vector.extract_strided_slice %add3A_53 {offsets = [0, 1], sizes = [10000, 127], strides = [1, 1]} : vector<10000x128xf32> to vector<10000x127xf32>
    %concatenate3A_58 = tpu.concatenate %slice3A_57, %broadcast_in_dim3A_55 in 1 : vector<10000x127xf32>, vector<10000x1xf32> -> vector<10000x128xf32>
    %max3A_59 = arith.maximumf %max3A, %concatenate3A_58 : vector<10000x128xf32>
    %gt3A = arith.constant 0.000000e+00 : f32
    %gt3A_60 = vector.broadcast %gt3A : f32 to vector<10000x128xf32>
    %gt3A_61 = arith.cmpf ogt, %max3A_59, %gt3A_60 : vector<10000x128xf32>
    %mul3A_62 = arith.constant 0.00999999977 : f32
    %mul3A_63 = vector.broadcast %mul3A_62 : f32 to vector<10000x128xf32>
    %mul3A_64 = arith.mulf %mul3A_63, %max3A_59 : vector<10000x128xf32>
    %select_n3A = arith.select %gt3A_61, %max3A_59, %mul3A_64 : vector<10000x128xi1>, vector<10000x128xf32>
    %get3A_65 = arith.constant 0 : index
    %get3A_66 = arith.constant 0 : index
    %get3A_67 = vector.load %arg6[%get3A_65, %get3A_66] : memref<128x128xf32, #tpu.memory_space<vmem>>, vector<128x128xf32>
    %dot_general3A = arith.constant dense<0.000000e+00> : vector<10000x128xf32>
    %dot_general3A_68 = tpu.matmul %select_n3A, %get3A_67, %dot_general3A {dimension_numbers = #tpu.dot_dimension_numbers<[1], [0], [0], [1], [0, 0, 1, 1], [], []>, transpose_lhs_hint = false} : vector<10000x128xf32>, vector<128x128xf32>, vector<10000x128xf32> -> vector<10000x128xf32>
    %get3A_69 = arith.constant 0 : index
    %get3A_70 = arith.constant 0 : index
    %get3A_71 = vector.load %arg7[%get3A_69, %get3A_70] : memref<1x128xf32, #tpu.memory_space<vmem>>, vector<1x128xf32>
    %add3A_72 = vector.broadcast %get3A_71 : vector<1x128xf32> to vector<10000x128xf32>
    %add3A_73 = arith.addf %dot_general3A_68, %add3A_72 : vector<10000x128xf32>
    %gt3A_74 = arith.constant 0.000000e+00 : f32
    %gt3A_75 = vector.broadcast %gt3A_74 : f32 to vector<10000x128xf32>
    %gt3A_76 = arith.cmpf ogt, %add3A_73, %gt3A_75 : vector<10000x128xf32>
    %mul3A_77 = arith.constant 0.00999999977 : f32
    %mul3A_78 = vector.broadcast %mul3A_77 : f32 to vector<10000x128xf32>
    %mul3A_79 = arith.mulf %mul3A_78, %add3A_73 : vector<10000x128xf32>
    %select_n3A_80 = arith.select %gt3A_76, %add3A_73, %mul3A_79 : vector<10000x128xi1>, vector<10000x128xf32>
    %swap3A = arith.constant 0 : index
    %swap3A_81 = arith.constant 0 : index
    %swap3A_82 = vector.load %arg9[%swap3A, %swap3A_81] : memref<10000x128xf32, #tpu.memory_space<vmem>>, vector<10000x128xf32>
    tpu.vector_store %arg9[%swap3A, %swap3A_81], %select_n3A_80 {strides = array<i32>} : memref<10000x128xf32, #tpu.memory_space<vmem>>, vector<10000x128xf32>,
    return
  }
}

</mosaic_0001>

<sc_bundles>
// kernel: kernel.10.cloned.1.call-start
scs
__scs_entry_jumppad:
0x0: {  	(pc) =	sbr.rel $0x88, $3  }
0x1: {  	(tag) =	ssettag $0x0;
	lr =	simm.s32 $0x1  }
0x2: {  	[smem:$0x3F8D] =	sst lr;
	_ =	strace $0xD0000000  }
0x3: {  	_ = 	snop  }
0x4: {  	_ = 	snop  }
0x5: {  	_ = 	snop  }
0x6: {  	_ = 	snop  }
0x7: {  	_ = 	snop  }
__scs_overlays_trampoline_lowered:
0x8: {  	[smem:$0x3F9C] =	sst s0  }
0x9: {  	[smem:$0x3F9D] =	sst s1  }
0xa: {  	[smem:$0x3F9E] =	sst s2  }
0xb: {  	[smem:$0x3F9F] =	sst s3  }
0xc: {  	[smem:$0x3FA0] =	sst s4  }
0xd: {  	[smem:$0x3FA1] =	sst s5  }
0xe: {  	[smem:$0x3FA2] =	sst s6  }
0xf: {  	[smem:$0x3FA3] =	sst s7  }
0x10: {  	[smem:$0x3FA4] =	sst s8  }
0x11: {  	[smem:$0x3FA5] =	sst s9;
	s0 =	simm.s32 @!p0 $0x0  }
0x12: {  	s1 =	sld [smem:$0x3F8B];
	s0 =	simm.s32 @p0 $0x1  }
0x13: {  	[smem:$0x3FA6] =	sst s0;
	s0 =	simm.s32 @!p1 $0x0  }
0x14: {  	s2 =	sld [smem:$0x3F8A];
	s0 =	simm.s32 @p1 $0x1  }
0x15: {  	[smem:$0x3FA7] =	sst s0;
	s0 =	simm.s32 @!p2 $0x0  }
0x16: {  	s3 =	sld [smem:$0x3FDB];
	s0 =	simm.s32 @p2 $0x1  }
0x17: {  	s4 =	simm.s32 $0x1BF5;
	[smem:$0x3FA9] =	sst s0  }
0x18: {  	s0 =	sld [smem:$0x3F8C];
	_ =	swait.ge [sflag:s4], $0x0  }
0x19: {  	s7 =	sld [smem:$0x3F8D]  }
0x1a: {  	s8 =	sadd.s32 $0xFFFFE003, lr  }
0x1b: {  	s9 =	sadd.s32 $0xFFFFFEF7, lr;
	s5 =	simm.s32 $0xFFFFFFFF;
	p2 =	slt.u32 s8, $0xFFFFF086  }
0x1c: {  	p1 =	slt.u32 s9, $0xF7A;
	s5 =	simm.s32 @!p2 $0x0  }
0x1d: {  	s5 =	simm.s32 @p1 $0x1;
	p0 =	seq.s32 s7, s2  }
0x1e: {  	s7 =	smul.u32 @!p0 $0xF7A, s2;
	p2 =	seq.s32 @!p0 s5, $0x0  }
0x1f: {  	s9 =	smul.u32 $0xF7A, s1;
	s8 =	simm.s32 @!p0 $0x1BF5;
	p2 =	por !p2, p0  }
0x20: {  	[sflag:s8] =	ssyncset.s32 @!p0 $0xFFFFF086;
	s6 =	sadd.s32 @!p0 s3, s7;
	s7 =	simm.s32 @!p0 $0x108  }
0x21: {  	s3 =	sadd.s32 s3, s9;
	s6 =	sadd.s32 @!p0 $0x88, s6;
	s7 =	simm.s32 @p2 $0x1082  }
0x22: {  	[simem:s7], [sflag:s8] =	dma.local @!p0 [hbm:s6], $0xF7A  }
0x23: {  	s9 =	sor.u32 $0xD0000000, s2;
	s6 =	simm.s32 $0x108;
	_ =	swait.ge @!p0 [sflag:s8], $0x0  }
0x24: {  	s3 =	sadd.s32 $0x88, s3;
	s6 =	simm.s32 @!p1 $0x1082;
	[sflag:s4] =	ssyncset.s32 $0xFFFFF086  }
0x25: {  	[simem:s6], [sflag:s4] =	dma.local [hbm:s3], $0xF7A  }
0x26: {  	[smem:$0x3F8D] =	sst s1;
	(tag) =	ssettag s2;
	_ =	strace s9  }
0x27: {  	s1 =	sld [smem:$0x3F9D]  }
0x28: {  	s2 =	sld [smem:$0x3F9E]  }
0x29: {  	s4 =	sld [smem:$0x3FA0]  }
0x2a: {  	p0 =	seq.s32 s5, $0x0;
	s5 =	sld [smem:$0x3FA1]  }
0x2b: {  	s6 =	sld [smem:$0x3FA2]  }
0x2c: {  	s7 =	sld [smem:$0x3FA3]  }
0x2d: {  	s3 =	simm.s32 $0x108;
	s8 =	sld [smem:$0x3FA4]  }
0x2e: {  	s3 =	simm.s32 @!p0 $0x1082;
	s9 =	sld [smem:$0x3FA5]  }
0x2f: {  	lr =	sadd.s32 s0, s3;
	s0 =	sld [smem:$0x3F9C]  }
0x30: {  	s3 =	sld [smem:$0x3F9F]  }
0x31: {  	[smem:$0x3FA8] =	sst s10  }
0x32: {  	s10 =	sld [smem:$0x3FA6];
	_ =	sdelay $0x3  }
0x33: {  	p0 =	seq.s32 s10, $0x1;
	s10 =	sld [smem:$0x3FA8];
	_ =	sdelay $0x3  }
0x34: {  	[smem:$0x3FA8] =	sst s10  }
0x35: {  	s10 =	sld [smem:$0x3FA7];
	_ =	sdelay $0x3  }
0x36: {  	p1 =	seq.s32 s10, $0x1;
	s10 =	sld [smem:$0x3FA8];
	_ =	sdelay $0x3  }
0x37: {  	[smem:$0x3FA8] =	sst s10  }
0x38: {  	s10 =	sld [smem:$0x3FA9]  }
0x39: {  	_ = 	snop;
	(pc) =	sbr.ind lr, $3  }
0x3a: {  	_ = 	snop  }
0x3b: {  	_ = 	snop  }
0x3c: {  	p2 =	seq.s32 s10, $0x1;
	s10 =	sld [smem:$0x3FA8]  }
0x3d: {  	_ =	shalt  }
0x3e: {  	_ =	shalt  }
0x3f: {  	_ =	shalt  }
0x40: {  	_ =	shalt  }
0x41: {  	_ =	shalt  }
0x42: {  	_ =	shalt  }
0x43: {  	_ =	shalt  }
0x44: {  	_ =	shalt  }
0x45: {  	_ =	shalt  }
0x46: {  	_ =	shalt  }
0x47: {  	_ =	shalt  }
0x48: {  	_ =	shalt  }
0x49: {  	_ =	shalt  }
0x4a: {  	_ =	shalt  }
0x4b: {  	_ =	shalt  }
0x4c: {  	_ =	shalt  }
0x4d: {  	_ =	shalt  }
0x4e: {  	_ =	shalt  }
0x4f: {  	_ =	shalt  }
0x50: {  	_ =	shalt  }
0x51: {  	_ =	shalt  }
0x52: {  	_ =	shalt  }
0x53: {  	_ =	shalt  }
0x54: {  	_ =	shalt  }
0x55: {  	_ =	shalt  }
0x56: {  	_ =	shalt  }
0x57: {  	_ =	shalt  }
0x58: {  	_ =	shalt  }
0x59: {  	_ =	shalt  }
0x5a: {  	_ =	shalt  }
0x5b: {  	_ =	shalt  }
0x5c: {  	_ =	shalt  }
0x5d: {  	_ =	shalt  }
0x5e: {  	_ =	shalt  }
0x5f: {  	_ =	shalt  }
0x60: {  	_ =	shalt  }
0x61: {  	_ =	shalt  }
0x62: {  	_ =	shalt  }
0x63: {  	_ =	shalt  }
0x64: {  	_ =	shalt  }
0x65: {  	_ =	shalt  }
0x66: {  	_ =	shalt  }
0x67: {  	_ =	shalt  }
0x68: {  	_ =	shalt  }
0x69: {  	_ =	shalt  }
0x6a: {  	_ =	shalt  }
0x6b: {  	_ =	shalt  }
0x6c: {  	_ =	shalt  }
0x6d: {  	_ =	shalt  }
0x6e: {  	_ =	shalt  }
0x6f: {  	_ =	shalt  }
0x70: {  	_ =	shalt  }
0x71: {  	_ =	shalt  }
0x72: {  	_ =	shalt  }
0x73: {  	_ =	shalt  }
0x74: {  	_ =	shalt  }
0x75: {  	_ =	shalt  }
0x76: {  	_ =	shalt  }
0x77: {  	_ =	shalt  }
0x78: {  	_ =	shalt  }
0x79: {  	_ =	shalt  }
0x7a: {  	_ =	shalt  }
0x7b: {  	_ =	shalt  }
0x7c: {  	_ =	shalt  }
0x7d: {  	_ =	shalt  }
0x7e: {  	_ =	shalt  }
0x7f: {  	_ =	shalt  }
0x80: {  	_ =	shalt  }
0x81: {  	_ =	shalt  }
0x82: {  	_ =	shalt  }
0x83: {  	_ =	shalt  }
0x84: {  	_ =	shalt  }
0x85: {  	_ =	shalt  }
0x86: {  	_ =	shalt  }
0x87: {  	_ =	shalt  }
.Lfunc_end0:
.L_simem_size_0:
called_computation_lowered:
.L_overlay_start_0:
0x88: {  	s2 =	sld [smem:$0x3FD9]  }
0x89: {  	s3 =	sld [smem:$0x3FFE];
	_ =	sdelay $0x1  }
0x8a: {  	s1 =	srdreg.scid  }
0x8b: {  	s0 =	sand.u32 $0x1, s1  }
0x8c: {  	s17 =	sshll.u32 s0, $0xA;
	s2 =	sadd.s32 s3, s2  }
0x8d: {  	s2 =	sadd.s32 s2, s17  }
0x8e: {  	[smem:$0x3FB4] =	sst s2  }
0x8f: {  	_ = 	snop  }
0x90: {  	s2 =	sld [smem:$0x3FD0];
	(tm) =	ssettm $0x1  }
0x91: {  	s18 =	sld [smem:$0x3FFB];
	_ =	sdelay $0x3  }
0x92: {  	_ =	strace s18  }
0x93: {  	s3 =	sld [smem:$0x3FFC];
	_ =	sdelay $0x3  }
0x94: {  	_ =	strace s3  }
0x95: {  	s3 =	sld [smem:$0x3FFD];
	_ =	sdelay $0x3  }
0x96: {  	_ =	strace s3  }
0x97: {  	_ =	strace $0x8FFFFFFF  }
0x98: {  	s19 =	sld [smem:$0x3FDB];
	_ =	sdelay $0x1  }
0x99: {  	s4 =	simm.s32 $_scs_section_size  }
0x9a: {  	s5 =	simm.s32 $_size__tile_overlayer_lowered;
	s6 =	simm.s32 $_tile_overlayer_lowered  }
0x9b: {  	s22 =	simm.s32 $0x1BFF;
	s21 =	sshll.u32 s6, $0x1;
	s3 =	sadd.s32 s4, s19  }
0x9c: {  	s7 =	simm.s32 $0x0;
	s20 =	sshll.u32 s5, $0x1;
	s5 =	sadd.s32 s21, s3  }
0x9d: {  	[timem:s7], [sflag:s22] =	dma.local [hbm:s5], s20  }
0x9e: {  	_ =	swait.ge [sflag:s22], s20  }
0x9f: {  	s4 =	ssub.s32 $0x0, s20;
	[sflag:s22] =	ssyncset.done $0x0  }
0xa0: {  	[sflag:s22] =	ssyncadd.s32 s4;
	_ =	sdelay $0x1  }
0xa1: {  	s23 =	simm.s32 $0x1B8B  }
0xa2: {  	_ =	swait.ge [sflag:s23], $0x1  }
0xa3: {  	[sflag:s23] =	ssyncset.done $0x0  }
0xa4: {  	s25 =	simm.s32 $0x1B8E;
	s24 =	sld [smem:$0x3FFE];
	[sflag:s23] =	ssyncadd.s32 $0xFFFFFFFF  }
0xa5: {  	s26 =	simm.s32 $execute0_lowered;
	[smem:$0x3FD2] =	sst s25  }
0xa6: {  	s5 =	sshll.u32 s26, $0x1;
	_ =	strace $0x80000046;
	[dreg:$0x1] =	wrdreg $0xFFFFFFFF  }
0xa7: {  	s28 =	simm.s32 $_size_execute0_lowered;
	s3 =	sadd.s32 s3, s5;
	[dreg:$0x0] =	wrdreg $0x0  }
0xa8: {  	s5 =	sshll.u32 s28, $0x1;
	[dreg:$0x2] =	wrdreg s3  }
0xa9: {  	[dreg:$0x3] =	wrdreg s5  }
0xaa: {  	[dreg:$0x4] =	wrdreg $0xC0  }
0xab: {  	_ =	task [dreg:s7], $0x5FFFF  }
0xac: {  	[dreg:$0x1] =	wrdreg $0xFFFFFFFF  }
0xad: {  	[dreg:$0x0] =	wrdreg $0x60  }
0xae: {  	[dreg:$0x2] =	wrdreg s24  }
0xaf: {  	[dreg:$0x3] =	wrdreg s2  }
0xb0: {  	[dreg:$0x4] =	wrdreg $0x0  }
0xb1: {  	[dreg:$0x5] =	wrdreg $0x9  }
0xb2: {  	_ =	task.clear_ibuf [dreg:s7], $0x6FFFF;
	_ =	strace $0x90000046  }
0xb3: {  	s29 =	simm.s32 $0x9;
	_ =	strace $0x80000048  }
0xb4: {  	_ =	swait.ge [sflag:s29], $0x1  }
0xb5: {  	[sflag:s29] =	ssyncadd.s32 $0xFFFFFFFF  }
0xb6: {  	_ =	strace $0x90000048  }
0xb7: {  	_ =	sfence  }
0xb8: {  	s30 =	sld [smem:$0x0];
	_ =	sdelay $0x2  }
0xb9: {  	s31 =	sshll.u32 s1, $0xD;
	s1 =	sshrl.u32 s1, $0x2  }
0xba: {  	s3 =	sand.u32 $0x4000, s31;
	s1 =	sadd.s32 s1, s30  }
0xbb: {  	s0 =	sor.u32 s3, s0;
	s1 =	sshll.u32 s1, $0x11  }
0xbc: {  	s0 =	sor.u32 s1, s0  }
0xbd: {  	s0 =	sadd.s32 $0x8F2B, s0  }
0xbe: {  	[sflag:s0] =	ssyncadd.remote.s32 $0x1  }
0xbf: {  	_ =	sfence.sel $0xFFFF  }
0xc0: {  	[dreg:$0x0] =	wrdreg $0xFFFFFFFF;
	(pc) =	sbr.abs _section_cstart, $3  }
0xc1: {  	[dreg:$0x1] =	wrdreg $0xFFFFFFFF  }
0xc2: {  	_ =	task.clear_ibuf [dreg:s7], $0x2FFFF;
	_ =	strace $0x9FFFFFFF  }
0xc3: {  	(tm) =	ssettm $0x7FFFFFFF  }
tec
execute0_lowered:
.L_overlay_start_1:
0x0: {  	(tag) =	ssettag $0x1  }
0x1: {  	s6 =	rddreg [dreg:$0x0]  }
0x2: {  	s1 =	rddreg [dreg:$0x1]  }
0x3: {  	s2 =	rddreg [dreg:$0x2];
	s3 =	srdreg.scid  }
0x4: {  	s0 =	rddreg [dreg:$0x3];
	s4 =	simm.s32 $0x0;
	s13 =	simm.s32 $0x2780  }
0x5: {  	s14 =	simm.s32 $0x50;
	s5 =	sand.u32 $0x1, s3;
	s3 =	stileid.u32  }
0x6: {  	s15 =	simm.s32 $0x0;
	[smem:$0x7FF] =	sst s4;
	s7 =	smul.u32 $0x13C000, s5  }
0x7: {  	s8 =	smul.u32 $0x13C00, s3;
	_ =	strace $0x80000047;
	s9 =	sshll.u32 s5, $0xB  }
0x8: {  	s26 =	ssub.s32 $0x2, s5;
	s11 =	smul.u32 $0x4F000, s3;
	s5 =	sadd.s32 $0x14400, s6  }
0x9: {  	s29 =	sshll.u32 s3, $0x6;
	s30 =	sshll.u32 s3, $0xC;
	s10 =	sshrl.u32 s26, $0x1  }
0xa: {  	s9 =	sadd.s32 s9, s6;
	s7 =	sadd.s32 s8, s7;
	s10 =	ssub.s32 s26, s10  }
0xb: {  	s28 =	sshrl.u32 s11, $0x2;
	s31 =	sadd.s32 s30, s9;
	s7 =	sshrl.u32 s7, $0x3  }
0xc: {  	s11 =	sadd.s32 s28, s2;
	s9 =	smax.u32 s10, $0x1;
	s12 =	sadd.s32 s7, s6  }
0xd: {  	s6 =	sor.u32 $0x1C01, s29;
	s7 =	sadd.s32 $0x4400, s31;
	s10 =	sshrl.u32 s11, $0x3  }
0xe: {  	s11 =	simm.s32 $0x1;
	s8 =	sadd.s32 $0x14A00, s12;
	s12 =	simm.s32 $0x6780  }
.LBB2_1:
0xf: {  	[spmem:s10], [sflag:s6] =	dma.local [hbm:s1], $0x2780  }
0x10: {  	_ =	swait.ge [sflag:s11], $0x2780  }
0x11: {  	[sflag:s11] =	ssyncset.done $0x0  }
0x12: {  	[sflag:s11] =	ssyncadd.s32 $0xFFFFD880  }
0x13: {  	[tilespmem:s12], [sflag:$0x1] =	stream.linear.gather [hbm4b:s5+s4], $0x2800, $0x38;
	[tilespmem:$0x8F80] =	vst v63  }
0x14: {  	_ =	swait.ge [sflag:s11], $0x2800  }
0x15: {  	[sflag:s11] =	ssyncset.done $0x0  }
0x16: {  	[sflag:s11] =	ssyncadd.s32 $0xFFFFD800  }
0x17: {  	[tilespmem:s13], [sflag:$0x1] =	stream.linear.gather [hbm4b:s7+s4], $0x3E80, $0x38;
	[tilespmem:$0x8F80] =	vst v63  }
0x18: {  	_ =	swait.ge [sflag:s11], $0x3E80  }
0x19: {  	[sflag:s11] =	ssyncset.done $0x0  }
0x1a: {  	[sflag:s11] =	ssyncadd.s32 $0xFFFFC180  }
0x1b: {  	s16 =	simm.s32 $0x2780;
	[bflag:$0x0] =	sbarrier.arrive $0xFFFF  }
0x1c: {  	[spmem:s2] =	stream.indirect.scatter.add.f32 [tilespmem:s12], [sflag:$0x1], $0x10, s16, s14, $0xb8;
	[tilespmem:$0x8F80] =	vst v63  }
0x1d: {  	s16 =	simm.s32 $0x200;
	_ =	swait.ge [sflag:s11], $0x500  }
.LBB2_2:
0x1e: {  	s17 =	sshra.s32 s16, $0x2;
	[sflag:s11] =	ssyncset.done $0x0;
	p0 =	sne.s32 s16, $0xF800  }
.Ltmp0:
0x1f: {  	s17 =	sadd.s32 $0x2780, s17;
	[sflag:s11] =	ssyncadd.s32 $0xFFFFFB00;
	(pc) =	sbr.rel @p0 .LBB2_2-.Ltmp0, $3  }
0x20: {  	[spmem:s2] =	stream.indirect.scatter.add.f32 [tilespmem:s12], [sflag:$0x1], $0x10, s17, s14, $0xb8;
	[tilespmem:$0x8F80] =	vst v63  }
0x21: {  	s16 =	sadd.s32 $0x200, s16;
	_ =	sdelay $0x1  }
0x22: {  	_ =	swait.ge [sflag:s11], $0x500  }
0x23: {  	[sflag:s11] =	ssyncset.done $0x0;
	s15 =	sadd.s32 $0x1, s15  }
0x24: {  	[sflag:s11] =	ssyncadd.s32 $0xFFFFFB00;
	p0 =	sne.s32 s15, s9  }
.Ltmp1:
0x25: {  	[bflag:$0x0] =	sbarrier.arrive $0xFFFF;
	(pc) =	sbr.rel @p0 .LBB2_1-.Ltmp1, $4  }
0x26: {  	[hbm:s8], [sflag:s6] =	dma.local [spmem:s10], $0x2780  }
0x27: {  	_ =	swait.ge [sflag:s11], $0x2780  }
0x28: {  	[sflag:s11] =	ssyncset.done $0x0  }
0x29: {  	[sflag:s11] =	ssyncadd.s32 $0xFFFFD880  }
0x2a: {  	_ =	sfence.sel $0x180000  }
0x2b: {  	[bflag:$0x0] =	sbarrier.arrive $0xFFFF  }
0x2c: {  	p0 =	sne.s32 s3, $0x0;
	_ =	strace $0x90000047  }
0x2d: {  	s0 =	sadd.s32 @!p0 $0x100000, s0;
	[bflag:$0x2] =	sbarrier.arrive $0xFFFF  }
0x2e: {  	[sflag:s0] =	ssyncadd.tile.s32 @!p0 $0x1;
	_ =	shalt  }
.Lfunc_end2:
_tile_overlayer_lowered:
.L_overlay_start_2:
0x2f: {  	(tag) =	ssettag $0x2  }
0x30: {  	s0 =	rddreg [dreg:$0x0];
	s2 =	stileid.u32  }
0x31: {  	s1 =	rddreg [dreg:$0x1];
	p0 =	sne.s32 s2, $0x0  }
0x32: {  	s3 =	rddreg [dreg:$0x2];
	[bflag:$0x3] =	sbarrier.arrive $0xFFFF;
	s2 =	simm.s32 @!p0 $0x1C01  }
0x33: {  	[timem:s3], [sflag:s2] =	dma.local @!p0 [hbm:s0], s1  }
0x34: {  	s0 =	simm.s32 @!p0 $0x1  }
0x35: {  	_ =	swait.ge @!p0 [sflag:s0], s1  }
0x36: {  	s1 =	ssub.s32 @!p0 $0x0, s1;
	[sflag:s0] =	ssyncset.done @!p0 $0x0  }
0x37: {  	[sflag:s0] =	ssyncadd.s32 @!p0 s1  }
0x38: {  	[bflag:$0x3] =	sbarrier.arrive $0xFFFF  }
0x39: {  	_ =	shalt  }

// kernel: kernel.13.cloned.1.call-start
scs
__scs_entry_jumppad:
0x0: {  	(pc) =	sbr.rel $0x88, $3  }
0x1: {  	(tag) =	ssettag $0x0;
	lr =	simm.s32 $0x1  }
0x2: {  	[smem:$0x3F8D] =	sst lr;
	_ =	strace $0xD0000000  }
0x3: {  	_ = 	snop  }
0x4: {  	_ = 	snop  }
0x5: {  	_ = 	snop  }
0x6: {  	_ = 	snop  }
0x7: {  	_ = 	snop  }
__scs_overlays_trampoline_lowered:
0x8: {  	[smem:$0x3F9C] =	sst s0  }
0x9: {  	[smem:$0x3F9D] =	sst s1  }
0xa: {  	[smem:$0x3F9E] =	sst s2  }
0xb: {  	[smem:$0x3F9F] =	sst s3  }
0xc: {  	[smem:$0x3FA0] =	sst s4  }
0xd: {  	[smem:$0x3FA1] =	sst s5  }
0xe: {  	[smem:$0x3FA2] =	sst s6  }
0xf: {  	[smem:$0x3FA3] =	sst s7  }
0x10: {  	[smem:$0x3FA4] =	sst s8  }
0x11: {  	[smem:$0x3FA5] =	sst s9;
	s0 =	simm.s32 @!p0 $0x0  }
0x12: {  	s1 =	sld [smem:$0x3F8B];
	s0 =	simm.s32 @p0 $0x1  }
0x13: {  	[smem:$0x3FA6] =	sst s0;
	s0 =	simm.s32 @!p1 $0x0  }
0x14: {  	s2 =	sld [smem:$0x3F8A];
	s0 =	simm.s32 @p1 $0x1  }
0x15: {  	[smem:$0x3FA7] =	sst s0;
	s0 =	simm.s32 @!p2 $0x0  }
0x16: {  	s3 =	sld [smem:$0x3FDB];
	s0 =	simm.s32 @p2 $0x1  }
0x17: {  	s4 =	simm.s32 $0x1BF5;
	[smem:$0x3FA9] =	sst s0  }
0x18: {  	s0 =	sld [smem:$0x3F8C];
	_ =	swait.ge [sflag:s4], $0x0  }
0x19: {  	s7 =	sld [smem:$0x3F8D]  }
0x1a: {  	s8 =	sadd.s32 $0xFFFFE003, lr  }
0x1b: {  	s9 =	sadd.s32 $0xFFFFFEF7, lr;
	s5 =	simm.s32 $0xFFFFFFFF;
	p2 =	slt.u32 s8, $0xFFFFF086  }
0x1c: {  	p1 =	slt.u32 s9, $0xF7A;
	s5 =	simm.s32 @!p2 $0x0  }
0x1d: {  	s5 =	simm.s32 @p1 $0x1;
	p0 =	seq.s32 s7, s2  }
0x1e: {  	s7 =	smul.u32 @!p0 $0xF7A, s2;
	p2 =	seq.s32 @!p0 s5, $0x0  }
0x1f: {  	s9 =	smul.u32 $0xF7A, s1;
	s8 =	simm.s32 @!p0 $0x1BF5;
	p2 =	por !p2, p0  }
0x20: {  	[sflag:s8] =	ssyncset.s32 @!p0 $0xFFFFF086;
	s6 =	sadd.s32 @!p0 s3, s7;
	s7 =	simm.s32 @!p0 $0x108  }
0x21: {  	s3 =	sadd.s32 s3, s9;
	s6 =	sadd.s32 @!p0 $0x88, s6;
	s7 =	simm.s32 @p2 $0x1082  }
0x22: {  	[simem:s7], [sflag:s8] =	dma.local @!p0 [hbm:s6], $0xF7A  }
0x23: {  	s9 =	sor.u32 $0xD0000000, s2;
	s6 =	simm.s32 $0x108;
	_ =	swait.ge @!p0 [sflag:s8], $0x0  }
0x24: {  	s3 =	sadd.s32 $0x88, s3;
	s6 =	simm.s32 @!p1 $0x1082;
	[sflag:s4] =	ssyncset.s32 $0xFFFFF086  }
0x25: {  	[simem:s6], [sflag:s4] =	dma.local [hbm:s3], $0xF7A  }
0x26: {  	[smem:$0x3F8D] =	sst s1;
	(tag) =	ssettag s2;
	_ =	strace s9  }
0x27: {  	s1 =	sld [smem:$0x3F9D]  }
0x28: {  	s2 =	sld [smem:$0x3F9E]  }
0x29: {  	s4 =	sld [smem:$0x3FA0]  }
0x2a: {  	p0 =	seq.s32 s5, $0x0;
	s5 =	sld [smem:$0x3FA1]  }
0x2b: {  	s6 =	sld [smem:$0x3FA2]  }
0x2c: {  	s7 =	sld [smem:$0x3FA3]  }
0x2d: {  	s3 =	simm.s32 $0x108;
	s8 =	sld [smem:$0x3FA4]  }
0x2e: {  	s3 =	simm.s32 @!p0 $0x1082;
	s9 =	sld [smem:$0x3FA5]  }
0x2f: {  	lr =	sadd.s32 s0, s3;
	s0 =	sld [smem:$0x3F9C]  }
0x30: {  	s3 =	sld [smem:$0x3F9F]  }
0x31: {  	[smem:$0x3FA8] =	sst s10  }
0x32: {  	s10 =	sld [smem:$0x3FA6];
	_ =	sdelay $0x3  }
0x33: {  	p0 =	seq.s32 s10, $0x1;
	s10 =	sld [smem:$0x3FA8];
	_ =	sdelay $0x3  }
0x34: {  	[smem:$0x3FA8] =	sst s10  }
0x35: {  	s10 =	sld [smem:$0x3FA7];
	_ =	sdelay $0x3  }
0x36: {  	p1 =	seq.s32 s10, $0x1;
	s10 =	sld [smem:$0x3FA8];
	_ =	sdelay $0x3  }
0x37: {  	[smem:$0x3FA8] =	sst s10  }
0x38: {  	s10 =	sld [smem:$0x3FA9]  }
0x39: {  	_ = 	snop;
	(pc) =	sbr.ind lr, $3  }
0x3a: {  	_ = 	snop  }
0x3b: {  	_ = 	snop  }
0x3c: {  	p2 =	seq.s32 s10, $0x1;
	s10 =	sld [smem:$0x3FA8]  }
0x3d: {  	_ =	shalt  }
0x3e: {  	_ =	shalt  }
0x3f: {  	_ =	shalt  }
0x40: {  	_ =	shalt  }
0x41: {  	_ =	shalt  }
0x42: {  	_ =	shalt  }
0x43: {  	_ =	shalt  }
0x44: {  	_ =	shalt  }
0x45: {  	_ =	shalt  }
0x46: {  	_ =	shalt  }
0x47: {  	_ =	shalt  }
0x48: {  	_ =	shalt  }
0x49: {  	_ =	shalt  }
0x4a: {  	_ =	shalt  }
0x4b: {  	_ =	shalt  }
0x4c: {  	_ =	shalt  }
0x4d: {  	_ =	shalt  }
0x4e: {  	_ =	shalt  }
0x4f: {  	_ =	shalt  }
0x50: {  	_ =	shalt  }
0x51: {  	_ =	shalt  }
0x52: {  	_ =	shalt  }
0x53: {  	_ =	shalt  }
0x54: {  	_ =	shalt  }
0x55: {  	_ =	shalt  }
0x56: {  	_ =	shalt  }
0x57: {  	_ =	shalt  }
0x58: {  	_ =	shalt  }
0x59: {  	_ =	shalt  }
0x5a: {  	_ =	shalt  }
0x5b: {  	_ =	shalt  }
0x5c: {  	_ =	shalt  }
0x5d: {  	_ =	shalt  }
0x5e: {  	_ =	shalt  }
0x5f: {  	_ =	shalt  }
0x60: {  	_ =	shalt  }
0x61: {  	_ =	shalt  }
0x62: {  	_ =	shalt  }
0x63: {  	_ =	shalt  }
0x64: {  	_ =	shalt  }
0x65: {  	_ =	shalt  }
0x66: {  	_ =	shalt  }
0x67: {  	_ =	shalt  }
0x68: {  	_ =	shalt  }
0x69: {  	_ =	shalt  }
0x6a: {  	_ =	shalt  }
0x6b: {  	_ =	shalt  }
0x6c: {  	_ =	shalt  }
0x6d: {  	_ =	shalt  }
0x6e: {  	_ =	shalt  }
0x6f: {  	_ =	shalt  }
0x70: {  	_ =	shalt  }
0x71: {  	_ =	shalt  }
0x72: {  	_ =	shalt  }
0x73: {  	_ =	shalt  }
0x74: {  	_ =	shalt  }
0x75: {  	_ =	shalt  }
0x76: {  	_ =	shalt  }
0x77: {  	_ =	shalt  }
0x78: {  	_ =	shalt  }
0x79: {  	_ =	shalt  }
0x7a: {  	_ =	shalt  }
0x7b: {  	_ =	shalt  }
0x7c: {  	_ =	shalt  }
0x7d: {  	_ =	shalt  }
0x7e: {  	_ =	shalt  }
0x7f: {  	_ =	shalt  }
0x80: {  	_ =	shalt  }
0x81: {  	_ =	shalt  }
0x82: {  	_ =	shalt  }
0x83: {  	_ =	shalt  }
0x84: {  	_ =	shalt  }
0x85: {  	_ =	shalt  }
0x86: {  	_ =	shalt  }
0x87: {  	_ =	shalt  }
.Lfunc_end0:
.L_simem_size_0:
called_computation.1_lowered:
.L_overlay_start_0:
0x88: {  	s2 =	sld [smem:$0x3FD9]  }
0x89: {  	s3 =	sld [smem:$0x3FFE];
	_ =	sdelay $0x1  }
0x8a: {  	s1 =	srdreg.scid  }
0x8b: {  	s0 =	sand.u32 $0x1, s1  }
0x8c: {  	s17 =	sshll.u32 s0, $0xA;
	s2 =	sadd.s32 s3, s2  }
0x8d: {  	s2 =	sadd.s32 s2, s17  }
0x8e: {  	[smem:$0x3FB4] =	sst s2  }
0x8f: {  	_ = 	snop  }
0x90: {  	s2 =	sld [smem:$0x3FD0];
	(tm) =	ssettm $0x1  }
0x91: {  	s18 =	sld [smem:$0x3FFB];
	_ =	sdelay $0x3  }
0x92: {  	_ =	strace s18  }
0x93: {  	s3 =	sld [smem:$0x3FFC];
	_ =	sdelay $0x3  }
0x94: {  	_ =	strace s3  }
0x95: {  	s3 =	sld [smem:$0x3FFD];
	_ =	sdelay $0x3  }
0x96: {  	_ =	strace s3  }
0x97: {  	_ =	strace $0x8FFFFFFF  }
0x98: {  	s19 =	sld [smem:$0x3FDB];
	_ =	sdelay $0x1  }
0x99: {  	s4 =	simm.s32 $_scs_section_size  }
0x9a: {  	s5 =	simm.s32 $_size__tile_overlayer_lowered;
	s6 =	simm.s32 $_tile_overlayer_lowered  }
0x9b: {  	s22 =	simm.s32 $0x1BFF;
	s21 =	sshll.u32 s6, $0x1;
	s3 =	sadd.s32 s4, s19  }
0x9c: {  	s7 =	simm.s32 $0x0;
	s20 =	sshll.u32 s5, $0x1;
	s5 =	sadd.s32 s21, s3  }
0x9d: {  	[timem:s7], [sflag:s22] =	dma.local [hbm:s5], s20  }
0x9e: {  	_ =	swait.ge [sflag:s22], s20  }
0x9f: {  	s4 =	ssub.s32 $0x0, s20;
	[sflag:s22] =	ssyncset.done $0x0  }
0xa0: {  	[sflag:s22] =	ssyncadd.s32 s4;
	_ =	sdelay $0x1  }
0xa1: {  	s23 =	simm.s32 $0x1B8B  }
0xa2: {  	_ =	swait.ge [sflag:s23], $0x1  }
0xa3: {  	[sflag:s23] =	ssyncset.done $0x0  }
0xa4: {  	s25 =	simm.s32 $0x1B8E;
	s24 =	sld [smem:$0x3FFE];
	[sflag:s23] =	ssyncadd.s32 $0xFFFFFFFF  }
0xa5: {  	s26 =	simm.s32 $execute0_lowered;
	[smem:$0x3FD2] =	sst s25  }
0xa6: {  	s5 =	sshll.u32 s26, $0x1;
	_ =	strace $0x80000049;
	[dreg:$0x1] =	wrdreg $0xFFFFFFFF  }
0xa7: {  	s28 =	simm.s32 $_size_execute0_lowered;
	s3 =	sadd.s32 s3, s5;
	[dreg:$0x0] =	wrdreg $0x0  }
0xa8: {  	s5 =	sshll.u32 s28, $0x1;
	[dreg:$0x2] =	wrdreg s3  }
0xa9: {  	[dreg:$0x3] =	wrdreg s5  }
0xaa: {  	[dreg:$0x4] =	wrdreg $0xC0  }
0xab: {  	_ =	task [dreg:s7], $0x5FFFF  }
0xac: {  	[dreg:$0x1] =	wrdreg $0xFFFFFFFF  }
0xad: {  	[dreg:$0x0] =	wrdreg $0x60  }
0xae: {  	[dreg:$0x2] =	wrdreg s2  }
0xaf: {  	[dreg:$0x3] =	wrdreg s24  }
0xb0: {  	[dreg:$0x4] =	wrdreg $0x0  }
0xb1: {  	[dreg:$0x5] =	wrdreg $0x9  }
0xb2: {  	_ =	task.clear_ibuf [dreg:s7], $0x6FFFF;
	_ =	strace $0x90000049  }
0xb3: {  	s29 =	simm.s32 $0x9;
	_ =	strace $0x8000004B  }
0xb4: {  	_ =	swait.ge [sflag:s29], $0x1  }
0xb5: {  	[sflag:s29] =	ssyncadd.s32 $0xFFFFFFFF  }
0xb6: {  	_ =	strace $0x9000004B  }
0xb7: {  	_ =	sfence  }
0xb8: {  	s30 =	sld [smem:$0x0];
	_ =	sdelay $0x2  }
0xb9: {  	s31 =	sshll.u32 s1, $0xD;
	s1 =	sshrl.u32 s1, $0x2  }
0xba: {  	s3 =	sand.u32 $0x4000, s31;
	s1 =	sadd.s32 s1, s30  }
0xbb: {  	s0 =	sor.u32 s3, s0;
	s1 =	sshll.u32 s1, $0x11  }
0xbc: {  	s0 =	sor.u32 s1, s0  }
0xbd: {  	s0 =	sadd.s32 $0x8F2B, s0  }
0xbe: {  	[sflag:s0] =	ssyncadd.remote.s32 $0x1  }
0xbf: {  	_ =	sfence.sel $0xFFFF  }
0xc0: {  	[dreg:$0x0] =	wrdreg $0xFFFFFFFF;
	(pc) =	sbr.abs _section_cstart, $3  }
0xc1: {  	[dreg:$0x1] =	wrdreg $0xFFFFFFFF  }
0xc2: {  	_ =	task.clear_ibuf [dreg:s7], $0x2FFFF;
	_ =	strace $0x9FFFFFFF  }
0xc3: {  	(tm) =	ssettm $0x7FFFFFFF  }
tec
execute0_lowered:
.L_overlay_start_1:
0x0: {  	(tag) =	ssettag $0x1  }
0x1: {  	s0 =	rddreg [dreg:$0x0]  }
0x2: {  	s6 =	rddreg [dreg:$0x1]  }
0x3: {  	s1 =	srdreg.scid;
	s3 =	rddreg [dreg:$0x2]  }
0x4: {  	s2 =	stileid.u32;
	s4 =	simm.s32 $0x0;
	s14 =	simm.s32 $0x17C00  }
0x5: {  	s15 =	simm.s32 $0x50;
	s16 =	simm.s32 $0x1BC00;
	s17 =	simm.s32 $0x1  }
0x6: {  	s7 =	sand.u32 $0x1, s1;
	s1 =	rddreg [dreg:$0x3];
	s8 =	smul.u32 $0x13C00, s2  }
0x7: {  	s18 =	simm.s32 $0x0;
	[smem:$0x7FF] =	sst s4;
	s30 =	smul.u32 $0x4F000, s2  }
0x8: {  	s9 =	sshll.u32 s2, $0xC;
	s11 =	sshll.u32 s2, $0x6;
	s5 =	smul.u32 $0x13C000, s7  }
0x9: {  	s10 =	sshll.u32 s7, $0xB;
	_ =	strace $0x8000004A;
	s31 =	ssub.s32 $0x2, s7  }
0xa: {  	s9 =	sor.u32 s10, s9;
	s7 =	sshrl.u32 s31, $0x1;
	s10 =	sshrl.u32 s30, $0x2  }
0xb: {  	s5 =	sadd.s32 s8, s5;
	s28 =	sadd.s32 s9, s6;
	s12 =	ssub.s32 s31, s7  }
0xc: {  	s13 =	sadd.s32 s10, s3;
	s29 =	sshrl.u32 s5, $0x3;
	s5 =	sadd.s32 $0x14400, s6  }
0xd: {  	s7 =	sadd.s32 $0x63A00, s28;
	s8 =	sadd.s32 $0x4400, s28;
	s10 =	smax.u32 s12, $0x1  }
0xe: {  	s12 =	simm.s32 $0x2;
	s9 =	sadd.s32 s29, s6;
	s6 =	sor.u32 $0x1C02, s11  }
0xf: {  	s11 =	sshrl.u32 s13, $0x3;
	s13 =	simm.s32 $0x13C00;
	s9 =	sadd.s32 $0x73A00, s9  }
.LBB2_1:
0x10: {  	[spmem:s11], [sflag:s6] =	dma.local [hbm:s5], $0x2780  }
0x11: {  	_ =	swait.ge [sflag:s12], $0x2780  }
0x12: {  	[sflag:s12] =	ssyncset.done $0x0  }
0x13: {  	[sflag:s12] =	ssyncadd.s32 $0xFFFFD880  }
0x14: {  	[tilespmem:s13], [sflag:$0x2] =	stream.linear.gather [hbm4b:s7+s4], $0x3E80, $0x38;
	[tilespmem:$0x1E400] =	vst v63  }
0x15: {  	_ =	swait.ge [sflag:s12], $0x3E80  }
0x16: {  	[sflag:s12] =	ssyncset.done $0x0  }
0x17: {  	[sflag:s12] =	ssyncadd.s32 $0xFFFFC180  }
0x18: {  	[tilespmem:s14], [sflag:$0x2] =	stream.linear.gather [hbm4b:s8+s4], $0x3E80, $0x38;
	[tilespmem:$0x1E400] =	vst v63  }
0x19: {  	_ =	swait.ge [sflag:s12], $0x3E80  }
0x1a: {  	[sflag:s12] =	ssyncset.done $0x0  }
0x1b: {  	[sflag:s12] =	ssyncadd.s32 $0xFFFFC180  }
0x1c: {  	s19 =	simm.s32 $0x13C00;
	[bflag:$0x0] =	sbarrier.arrive $0xFFFF  }
0x1d: {  	[tilespmem:s16], [sflag:$0x1] =	stream.indirect.gather [hbm4b:s0+s15], $0x80, s19, s15, $0xb8;
	[tilespmem:$0x1E400] =	vst v63  }
0x1e: {  	_ =	swait.ge [sflag:s17], $0x2800  }
0x1f: {  	[sflag:s17] =	ssyncset.done $0x0  }
0x20: {  	s31 =	simm.s32 $0x17C00;
	[sflag:s17] =	ssyncadd.s32 $0xFFFFD800  }
0x21: {  	[spmem:s3] =	stream.indirect.scatter.add.f32 [tilespmem:s16], [sflag:$0x2], $0x80, s31, s15, $0xb8;
	[tilespmem:$0x1E400] =	vst v63  }
0x22: {  	_ =	swait.ge [sflag:s12], $0x2800  }
0x23: {  	s20 =	simm.s32 $0x400;
	s19 =	simm.s32 $0x80;
	[sflag:s12] =	ssyncset.done $0x0  }
.LBB2_2:
0x24: {  	s21 =	sadd.s32 $0x13C00, s19  }
0x25: {  	[sflag:s12] =	ssyncadd.s32 $0xFFFFD800;
	s22 =	smov.u32 s20;
	s23 =	sadd.s32 $0x200, s20  }
0x26: {  	[tilespmem:s16], [sflag:$0x1] =	stream.indirect.gather [hbm4b:s0+s15], $0x80, s21, s15, $0xb8;
	[tilespmem:$0x1E400] =	vst v63  }
0x27: {  	p0 =	sne.s32 s20, $0xF800;
	_ =	swait.ge [sflag:s17], $0x2800  }
.Ltmp0:
0x28: {  	[sflag:s17] =	ssyncset.done $0x0;
	(pc) =	sbr.rel @p0 .LBB2_2-.Ltmp0, $4  }
0x29: {  	s19 =	sadd.s32 $0x17C00, s19;
	[sflag:s17] =	ssyncadd.s32 $0xFFFFD800  }
0x2a: {  	[spmem:s3] =	stream.indirect.scatter.add.f32 [tilespmem:s16], [sflag:$0x2], $0x80, s19, s15, $0xb8;
	[tilespmem:$0x1E400] =	vst v63  }
0x2b: {  	_ =	swait.ge [sflag:s12], $0x2800  }
0x2c: {  	s20 =	smov.u32 s23;
	s19 =	sshra.s32 s22, $0x2;
	[sflag:s12] =	ssyncset.done $0x0  }
0x2d: {  	s20 =	sadd.s32 $0x13C00, s19;
	[sflag:s12] =	ssyncadd.s32 $0xFFFFD800  }
0x2e: {  	[tilespmem:s16], [sflag:$0x1] =	stream.indirect.gather [hbm4b:s0+s15], $0x80, s20, s15, $0xb8;
	[tilespmem:$0x1E400] =	vst v63  }
0x2f: {  	_ =	swait.ge [sflag:s17], $0x2800  }
0x30: {  	[sflag:s17] =	ssyncset.done $0x0  }
0x31: {  	s31 =	sadd.s32 $0x17C00, s19;
	[sflag:s17] =	ssyncadd.s32 $0xFFFFD800  }
0x32: {  	[spmem:s3] =	stream.indirect.scatter.add.f32 [tilespmem:s16], [sflag:$0x2], $0x80, s31, s15, $0xb8;
	[tilespmem:$0x1E400] =	vst v63  }
0x33: {  	_ =	swait.ge [sflag:s12], $0x2800  }
0x34: {  	s18 =	sadd.s32 $0x1, s18;
	[sflag:s12] =	ssyncset.done $0x0  }
0x35: {  	p0 =	sne.s32 s18, s10;
	[sflag:s12] =	ssyncadd.s32 $0xFFFFD800  }
.Ltmp1:
0x36: {  	[bflag:$0x0] =	sbarrier.arrive $0xFFFF;
	(pc) =	sbr.rel @p0 .LBB2_1-.Ltmp1, $4  }
0x37: {  	[hbm:s9], [sflag:s6] =	dma.local [spmem:s11], $0x2780  }
0x38: {  	_ =	swait.ge [sflag:s12], $0x2780  }
0x39: {  	[sflag:s12] =	ssyncset.done $0x0  }
0x3a: {  	[sflag:s12] =	ssyncadd.s32 $0xFFFFD880  }
0x3b: {  	_ =	sfence.sel $0x180000  }
0x3c: {  	[bflag:$0x0] =	sbarrier.arrive $0xFFFF  }
0x3d: {  	p0 =	sne.s32 s2, $0x0;
	_ =	strace $0x9000004A  }
0x3e: {  	s0 =	sadd.s32 @!p0 $0x100000, s1;
	[bflag:$0x2] =	sbarrier.arrive $0xFFFF  }
0x3f: {  	[sflag:s0] =	ssyncadd.tile.s32 @!p0 $0x1;
	_ =	shalt  }
.Lfunc_end2:
_tile_overlayer_lowered:
.L_overlay_start_2:
0x40: {  	(tag) =	ssettag $0x2  }
0x41: {  	s0 =	rddreg [dreg:$0x0];
	s2 =	stileid.u32  }
0x42: {  	s1 =	rddreg [dreg:$0x1];
	p0 =	sne.s32 s2, $0x0  }
0x43: {  	s3 =	rddreg [dreg:$0x2];
	[bflag:$0x3] =	sbarrier.arrive $0xFFFF;
	s2 =	simm.s32 @!p0 $0x1C02  }
0x44: {  	[timem:s3], [sflag:s2] =	dma.local @!p0 [hbm:s0], s1  }
0x45: {  	s0 =	simm.s32 @!p0 $0x2  }
0x46: {  	_ =	swait.ge @!p0 [sflag:s0], s1  }
0x47: {  	s1 =	ssub.s32 @!p0 $0x0, s1;
	[sflag:s0] =	ssyncset.done @!p0 $0x0  }
0x48: {  	[sflag:s0] =	ssyncadd.s32 @!p0 s1  }
0x49: {  	[bflag:$0x3] =	sbarrier.arrive $0xFFFF  }
0x4a: {  	_ =	shalt  }

// kernel: kernel.16.cloned.1.call-start
scs
__scs_entry_jumppad:
0x0: {  	(pc) =	sbr.rel $0x88, $3  }
0x1: {  	(tag) =	ssettag $0x0;
	lr =	simm.s32 $0x1  }
0x2: {  	[smem:$0x3F8D] =	sst lr;
	_ =	strace $0xD0000000  }
0x3: {  	_ = 	snop  }
0x4: {  	_ = 	snop  }
0x5: {  	_ = 	snop  }
0x6: {  	_ = 	snop  }
0x7: {  	_ = 	snop  }
__scs_overlays_trampoline_lowered:
0x8: {  	[smem:$0x3F9C] =	sst s0  }
0x9: {  	[smem:$0x3F9D] =	sst s1  }
0xa: {  	[smem:$0x3F9E] =	sst s2  }
0xb: {  	[smem:$0x3F9F] =	sst s3  }
0xc: {  	[smem:$0x3FA0] =	sst s4  }
0xd: {  	[smem:$0x3FA1] =	sst s5  }
0xe: {  	[smem:$0x3FA2] =	sst s6  }
0xf: {  	[smem:$0x3FA3] =	sst s7  }
0x10: {  	[smem:$0x3FA4] =	sst s8  }
0x11: {  	[smem:$0x3FA5] =	sst s9;
	s0 =	simm.s32 @!p0 $0x0  }
0x12: {  	s1 =	sld [smem:$0x3F8B];
	s0 =	simm.s32 @p0 $0x1  }
0x13: {  	[smem:$0x3FA6] =	sst s0;
	s0 =	simm.s32 @!p1 $0x0  }
0x14: {  	s2 =	sld [smem:$0x3F8A];
	s0 =	simm.s32 @p1 $0x1  }
0x15: {  	[smem:$0x3FA7] =	sst s0;
	s0 =	simm.s32 @!p2 $0x0  }
0x16: {  	s3 =	sld [smem:$0x3FDB];
	s0 =	simm.s32 @p2 $0x1  }
0x17: {  	s4 =	simm.s32 $0x1BF5;
	[smem:$0x3FA9] =	sst s0  }
0x18: {  	s0 =	sld [smem:$0x3F8C];
	_ =	swait.ge [sflag:s4], $0x0  }
0x19: {  	s7 =	sld [smem:$0x3F8D]  }
0x1a: {  	s8 =	sadd.s32 $0xFFFFE003, lr  }
0x1b: {  	s9 =	sadd.s32 $0xFFFFFEF7, lr;
	s5 =	simm.s32 $0xFFFFFFFF;
	p2 =	slt.u32 s8, $0xFFFFF086  }
0x1c: {  	p1 =	slt.u32 s9, $0xF7A;
	s5 =	simm.s32 @!p2 $0x0  }
0x1d: {  	s5 =	simm.s32 @p1 $0x1;
	p0 =	seq.s32 s7, s2  }
0x1e: {  	s7 =	smul.u32 @!p0 $0xF7A, s2;
	p2 =	seq.s32 @!p0 s5, $0x0  }
0x1f: {  	s9 =	smul.u32 $0xF7A, s1;
	s8 =	simm.s32 @!p0 $0x1BF5;
	p2 =	por !p2, p0  }
0x20: {  	[sflag:s8] =	ssyncset.s32 @!p0 $0xFFFFF086;
	s6 =	sadd.s32 @!p0 s3, s7;
	s7 =	simm.s32 @!p0 $0x108  }
0x21: {  	s3 =	sadd.s32 s3, s9;
	s6 =	sadd.s32 @!p0 $0x88, s6;
	s7 =	simm.s32 @p2 $0x1082  }
0x22: {  	[simem:s7], [sflag:s8] =	dma.local @!p0 [hbm:s6], $0xF7A  }
0x23: {  	s9 =	sor.u32 $0xD0000000, s2;
	s6 =	simm.s32 $0x108;
	_ =	swait.ge @!p0 [sflag:s8], $0x0  }
0x24: {  	s3 =	sadd.s32 $0x88, s3;
	s6 =	simm.s32 @!p1 $0x1082;
	[sflag:s4] =	ssyncset.s32 $0xFFFFF086  }
0x25: {  	[simem:s6], [sflag:s4] =	dma.local [hbm:s3], $0xF7A  }
0x26: {  	[smem:$0x3F8D] =	sst s1;
	(tag) =	ssettag s2;
	_ =	strace s9  }
0x27: {  	s1 =	sld [smem:$0x3F9D]  }
0x28: {  	s2 =	sld [smem:$0x3F9E]  }
0x29: {  	s4 =	sld [smem:$0x3FA0]  }
0x2a: {  	p0 =	seq.s32 s5, $0x0;
	s5 =	sld [smem:$0x3FA1]  }
0x2b: {  	s6 =	sld [smem:$0x3FA2]  }
0x2c: {  	s7 =	sld [smem:$0x3FA3]  }
0x2d: {  	s3 =	simm.s32 $0x108;
	s8 =	sld [smem:$0x3FA4]  }
0x2e: {  	s3 =	simm.s32 @!p0 $0x1082;
	s9 =	sld [smem:$0x3FA5]  }
0x2f: {  	lr =	sadd.s32 s0, s3;
	s0 =	sld [smem:$0x3F9C]  }
0x30: {  	s3 =	sld [smem:$0x3F9F]  }
0x31: {  	[smem:$0x3FA8] =	sst s10  }
0x32: {  	s10 =	sld [smem:$0x3FA6];
	_ =	sdelay $0x3  }
0x33: {  	p0 =	seq.s32 s10, $0x1;
	s10 =	sld [smem:$0x3FA8];
	_ =	sdelay $0x3  }
0x34: {  	[smem:$0x3FA8] =	sst s10  }
0x35: {  	s10 =	sld [smem:$0x3FA7];
	_ =	sdelay $0x3  }
0x36: {  	p1 =	seq.s32 s10, $0x1;
	s10 =	sld [smem:$0x3FA8];
	_ =	sdelay $0x3  }
0x37: {  	[smem:$0x3FA8] =	sst s10  }
0x38: {  	s10 =	sld [smem:$0x3FA9]  }
0x39: {  	_ = 	snop;
	(pc) =	sbr.ind lr, $3  }
0x3a: {  	_ = 	snop  }
0x3b: {  	_ = 	snop  }
0x3c: {  	p2 =	seq.s32 s10, $0x1;
	s10 =	sld [smem:$0x3FA8]  }
0x3d: {  	_ =	shalt  }
0x3e: {  	_ =	shalt  }
0x3f: {  	_ =	shalt  }
0x40: {  	_ =	shalt  }
0x41: {  	_ =	shalt  }
0x42: {  	_ =	shalt  }
0x43: {  	_ =	shalt  }
0x44: {  	_ =	shalt  }
0x45: {  	_ =	shalt  }
0x46: {  	_ =	shalt  }
0x47: {  	_ =	shalt  }
0x48: {  	_ =	shalt  }
0x49: {  	_ =	shalt  }
0x4a: {  	_ =	shalt  }
0x4b: {  	_ =	shalt  }
0x4c: {  	_ =	shalt  }
0x4d: {  	_ =	shalt  }
0x4e: {  	_ =	shalt  }
0x4f: {  	_ =	shalt  }
0x50: {  	_ =	shalt  }
0x51: {  	_ =	shalt  }
0x52: {  	_ =	shalt  }
0x53: {  	_ =	shalt  }
0x54: {  	_ =	shalt  }
0x55: {  	_ =	shalt  }
0x56: {  	_ =	shalt  }
0x57: {  	_ =	shalt  }
0x58: {  	_ =	shalt  }
0x59: {  	_ =	shalt  }
0x5a: {  	_ =	shalt  }
0x5b: {  	_ =	shalt  }
0x5c: {  	_ =	shalt  }
0x5d: {  	_ =	shalt  }
0x5e: {  	_ =	shalt  }
0x5f: {  	_ =	shalt  }
0x60: {  	_ =	shalt  }
0x61: {  	_ =	shalt  }
0x62: {  	_ =	shalt  }
0x63: {  	_ =	shalt  }
0x64: {  	_ =	shalt  }
0x65: {  	_ =	shalt  }
0x66: {  	_ =	shalt  }
0x67: {  	_ =	shalt  }
0x68: {  	_ =	shalt  }
0x69: {  	_ =	shalt  }
0x6a: {  	_ =	shalt  }
0x6b: {  	_ =	shalt  }
0x6c: {  	_ =	shalt  }
0x6d: {  	_ =	shalt  }
0x6e: {  	_ =	shalt  }
0x6f: {  	_ =	shalt  }
0x70: {  	_ =	shalt  }
0x71: {  	_ =	shalt  }
0x72: {  	_ =	shalt  }
0x73: {  	_ =	shalt  }
0x74: {  	_ =	shalt  }
0x75: {  	_ =	shalt  }
0x76: {  	_ =	shalt  }
0x77: {  	_ =	shalt  }
0x78: {  	_ =	shalt  }
0x79: {  	_ =	shalt  }
0x7a: {  	_ =	shalt  }
0x7b: {  	_ =	shalt  }
0x7c: {  	_ =	shalt  }
0x7d: {  	_ =	shalt  }
0x7e: {  	_ =	shalt  }
0x7f: {  	_ =	shalt  }
0x80: {  	_ =	shalt  }
0x81: {  	_ =	shalt  }
0x82: {  	_ =	shalt  }
0x83: {  	_ =	shalt  }
0x84: {  	_ =	shalt  }
0x85: {  	_ =	shalt  }
0x86: {  	_ =	shalt  }
0x87: {  	_ =	shalt  }
.Lfunc_end0:
.L_simem_size_0:
called_computation.2_lowered:
.L_overlay_start_0:
0x88: {  	s2 =	sld [smem:$0x3FD9]  }
0x89: {  	s3 =	sld [smem:$0x3FFE];
	_ =	sdelay $0x1  }
0x8a: {  	s1 =	srdreg.scid  }
0x8b: {  	s0 =	sand.u32 $0x1, s1  }
0x8c: {  	s17 =	sshll.u32 s0, $0xA;
	s2 =	sadd.s32 s3, s2  }
0x8d: {  	s2 =	sadd.s32 s2, s17  }
0x8e: {  	[smem:$0x3FB4] =	sst s2  }
0x8f: {  	_ = 	snop  }
0x90: {  	s2 =	sld [smem:$0x3FD0];
	(tm) =	ssettm $0x1  }
0x91: {  	s18 =	sld [smem:$0x3FFB];
	_ =	sdelay $0x3  }
0x92: {  	_ =	strace s18  }
0x93: {  	s3 =	sld [smem:$0x3FFC];
	_ =	sdelay $0x3  }
0x94: {  	_ =	strace s3  }
0x95: {  	s3 =	sld [smem:$0x3FFD];
	_ =	sdelay $0x3  }
0x96: {  	_ =	strace s3  }
0x97: {  	_ =	strace $0x8FFFFFFF  }
0x98: {  	s19 =	sld [smem:$0x3FDB];
	_ =	sdelay $0x1  }
0x99: {  	s4 =	simm.s32 $_scs_section_size  }
0x9a: {  	s5 =	simm.s32 $_size__tile_overlayer_lowered;
	s6 =	simm.s32 $_tile_overlayer_lowered  }
0x9b: {  	s22 =	simm.s32 $0x1BFF;
	s21 =	sshll.u32 s6, $0x1;
	s3 =	sadd.s32 s4, s19  }
0x9c: {  	s7 =	simm.s32 $0x0;
	s20 =	sshll.u32 s5, $0x1;
	s5 =	sadd.s32 s21, s3  }
0x9d: {  	[timem:s7], [sflag:s22] =	dma.local [hbm:s5], s20  }
0x9e: {  	_ =	swait.ge [sflag:s22], s20  }
0x9f: {  	s4 =	ssub.s32 $0x0, s20;
	[sflag:s22] =	ssyncset.done $0x0  }
0xa0: {  	[sflag:s22] =	ssyncadd.s32 s4;
	_ =	sdelay $0x1  }
0xa1: {  	s23 =	simm.s32 $0x1B8B  }
0xa2: {  	_ =	swait.ge [sflag:s23], $0x1  }
0xa3: {  	[sflag:s23] =	ssyncset.done $0x0  }
0xa4: {  	s25 =	simm.s32 $0x1B8E;
	s24 =	sld [smem:$0x3FFE];
	[sflag:s23] =	ssyncadd.s32 $0xFFFFFFFF  }
0xa5: {  	s26 =	simm.s32 $execute0_lowered;
	[smem:$0x3FD2] =	sst s25  }
0xa6: {  	s5 =	sshll.u32 s26, $0x1;
	_ =	strace $0x8000004C;
	[dreg:$0x1] =	wrdreg $0xFFFFFFFF  }
0xa7: {  	s28 =	simm.s32 $_size_execute0_lowered;
	s3 =	sadd.s32 s3, s5;
	[dreg:$0x0] =	wrdreg $0x0  }
0xa8: {  	s5 =	sshll.u32 s28, $0x1;
	[dreg:$0x2] =	wrdreg s3  }
0xa9: {  	[dreg:$0x3] =	wrdreg s5  }
0xaa: {  	[dreg:$0x4] =	wrdreg $0xC0  }
0xab: {  	_ =	task [dreg:s7], $0x5FFFF  }
0xac: {  	[dreg:$0x1] =	wrdreg $0xFFFFFFFF  }
0xad: {  	[dreg:$0x0] =	wrdreg $0x60  }
0xae: {  	[dreg:$0x2] =	wrdreg s2  }
0xaf: {  	[dreg:$0x3] =	wrdreg s24  }
0xb0: {  	[dreg:$0x4] =	wrdreg $0x0  }
0xb1: {  	[dreg:$0x5] =	wrdreg $0x9  }
0xb2: {  	_ =	task.clear_ibuf [dreg:s7], $0x6FFFF;
	_ =	strace $0x9000004C  }
0xb3: {  	s29 =	simm.s32 $0x9;
	_ =	strace $0x8000004E  }
0xb4: {  	_ =	swait.ge [sflag:s29], $0x1  }
0xb5: {  	[sflag:s29] =	ssyncadd.s32 $0xFFFFFFFF  }
0xb6: {  	_ =	strace $0x9000004E  }
0xb7: {  	_ =	sfence  }
0xb8: {  	s30 =	sld [smem:$0x0];
	_ =	sdelay $0x2  }
0xb9: {  	s31 =	sshll.u32 s1, $0xD;
	s1 =	sshrl.u32 s1, $0x2  }
0xba: {  	s3 =	sand.u32 $0x4000, s31;
	s1 =	sadd.s32 s1, s30  }
0xbb: {  	s0 =	sor.u32 s3, s0;
	s1 =	sshll.u32 s1, $0x11  }
0xbc: {  	s0 =	sor.u32 s1, s0  }
0xbd: {  	s0 =	sadd.s32 $0x8F2B, s0  }
0xbe: {  	[sflag:s0] =	ssyncadd.remote.s32 $0x1  }
0xbf: {  	_ =	sfence.sel $0xFFFF  }
0xc0: {  	[dreg:$0x0] =	wrdreg $0xFFFFFFFF;
	(pc) =	sbr.abs _section_cstart, $3  }
0xc1: {  	[dreg:$0x1] =	wrdreg $0xFFFFFFFF  }
0xc2: {  	_ =	task.clear_ibuf [dreg:s7], $0x2FFFF;
	_ =	strace $0x9FFFFFFF  }
0xc3: {  	(tm) =	ssettm $0x7FFFFFFF  }
tec
execute0_lowered:
.L_overlay_start_1:
0x0: {  	(tag) =	ssettag $0x1  }
0x1: {  	s0 =	rddreg [dreg:$0x0]  }
0x2: {  	s6 =	rddreg [dreg:$0x1]  }
0x3: {  	s1 =	srdreg.scid;
	s3 =	rddreg [dreg:$0x2]  }
0x4: {  	s2 =	stileid.u32;
	s4 =	simm.s32 $0x0;
	s14 =	simm.s32 $0x17C00  }
0x5: {  	s15 =	simm.s32 $0x50;
	s16 =	simm.s32 $0x1BC00;
	s17 =	simm.s32 $0x1  }
0x6: {  	s7 =	sand.u32 $0x1, s1;
	s1 =	rddreg [dreg:$0x3];
	s8 =	smul.u32 $0x13C00, s2  }
0x7: {  	s18 =	simm.s32 $0x0;
	[smem:$0x7FF] =	sst s4;
	s30 =	smul.u32 $0x4F000, s2  }
0x8: {  	s9 =	sshll.u32 s2, $0xC;
	s11 =	sshll.u32 s2, $0x6;
	s5 =	smul.u32 $0x13C000, s7  }
0x9: {  	s10 =	sshll.u32 s7, $0xB;
	_ =	strace $0x8000004D;
	s31 =	ssub.s32 $0x2, s7  }
0xa: {  	s9 =	sor.u32 s10, s9;
	s7 =	sshrl.u32 s31, $0x1;
	s10 =	sshrl.u32 s30, $0x2  }
0xb: {  	s5 =	sadd.s32 s8, s5;
	s28 =	sadd.s32 s9, s6;
	s12 =	ssub.s32 s31, s7  }
0xc: {  	s13 =	sadd.s32 s10, s3;
	s29 =	sshrl.u32 s5, $0x3;
	s5 =	sadd.s32 $0x14400, s6  }
0xd: {  	s7 =	sadd.s32 $0x63A00, s28;
	s8 =	sadd.s32 $0x4400, s28;
	s10 =	smax.u32 s12, $0x1  }
0xe: {  	s12 =	simm.s32 $0x2;
	s9 =	sadd.s32 s29, s6;
	s6 =	sor.u32 $0x1C02, s11  }
0xf: {  	s11 =	sshrl.u32 s13, $0x3;
	s13 =	simm.s32 $0x13C00;
	s9 =	sadd.s32 $0x73A00, s9  }
.LBB2_1:
0x10: {  	[spmem:s11], [sflag:s6] =	dma.local [hbm:s5], $0x2780  }
0x11: {  	_ =	swait.ge [sflag:s12], $0x2780  }
0x12: {  	[sflag:s12] =	ssyncset.done $0x0  }
0x13: {  	[sflag:s12] =	ssyncadd.s32 $0xFFFFD880  }
0x14: {  	[tilespmem:s13], [sflag:$0x2] =	stream.linear.gather [hbm4b:s7+s4], $0x3E80, $0x38;
	[tilespmem:$0x1E400] =	vst v63  }
0x15: {  	_ =	swait.ge [sflag:s12], $0x3E80  }
0x16: {  	[sflag:s12] =	ssyncset.done $0x0  }
0x17: {  	[sflag:s12] =	ssyncadd.s32 $0xFFFFC180  }
0x18: {  	[tilespmem:s14], [sflag:$0x2] =	stream.linear.gather [hbm4b:s8+s4], $0x3E80, $0x38;
	[tilespmem:$0x1E400] =	vst v63  }
0x19: {  	_ =	swait.ge [sflag:s12], $0x3E80  }
0x1a: {  	[sflag:s12] =	ssyncset.done $0x0  }
0x1b: {  	[sflag:s12] =	ssyncadd.s32 $0xFFFFC180  }
0x1c: {  	s19 =	simm.s32 $0x13C00;
	[bflag:$0x0] =	sbarrier.arrive $0xFFFF  }
0x1d: {  	[tilespmem:s16], [sflag:$0x1] =	stream.indirect.gather [hbm4b:s0+s15], $0x80, s19, s15, $0xb8;
	[tilespmem:$0x1E400] =	vst v63  }
0x1e: {  	_ =	swait.ge [sflag:s17], $0x2800  }
0x1f: {  	[sflag:s17] =	ssyncset.done $0x0  }
0x20: {  	s31 =	simm.s32 $0x17C00;
	[sflag:s17] =	ssyncadd.s32 $0xFFFFD800  }
0x21: {  	[spmem:s3] =	stream.indirect.scatter.add.f32 [tilespmem:s16], [sflag:$0x2], $0x80, s31, s15, $0xb8;
	[tilespmem:$0x1E400] =	vst v63  }
0x22: {  	_ =	swait.ge [sflag:s12], $0x2800  }
0x23: {  	s20 =	simm.s32 $0x400;
	s19 =	simm.s32 $0x80;
	[sflag:s12] =	ssyncset.done $0x0  }
.LBB2_2:
0x24: {  	s21 =	sadd.s32 $0x13C00, s19  }
0x25: {  	[sflag:s12] =	ssyncadd.s32 $0xFFFFD800;
	s22 =	smov.u32 s20;
	s23 =	sadd.s32 $0x200, s20  }
0x26: {  	[tilespmem:s16], [sflag:$0x1] =	stream.indirect.gather [hbm4b:s0+s15], $0x80, s21, s15, $0xb8;
	[tilespmem:$0x1E400] =	vst v63  }
0x27: {  	p0 =	sne.s32 s20, $0xF800;
	_ =	swait.ge [sflag:s17], $0x2800  }
.Ltmp0:
0x28: {  	[sflag:s17] =	ssyncset.done $0x0;
	(pc) =	sbr.rel @p0 .LBB2_2-.Ltmp0, $4  }
0x29: {  	s19 =	sadd.s32 $0x17C00, s19;
	[sflag:s17] =	ssyncadd.s32 $0xFFFFD800  }
0x2a: {  	[spmem:s3] =	stream.indirect.scatter.add.f32 [tilespmem:s16], [sflag:$0x2], $0x80, s19, s15, $0xb8;
	[tilespmem:$0x1E400] =	vst v63  }
0x2b: {  	_ =	swait.ge [sflag:s12], $0x2800  }
0x2c: {  	s20 =	smov.u32 s23;
	s19 =	sshra.s32 s22, $0x2;
	[sflag:s12] =	ssyncset.done $0x0  }
0x2d: {  	s20 =	sadd.s32 $0x13C00, s19;
	[sflag:s12] =	ssyncadd.s32 $0xFFFFD800  }
0x2e: {  	[tilespmem:s16], [sflag:$0x1] =	stream.indirect.gather [hbm4b:s0+s15], $0x80, s20, s15, $0xb8;
	[tilespmem:$0x1E400] =	vst v63  }
0x2f: {  	_ =	swait.ge [sflag:s17], $0x2800  }
0x30: {  	[sflag:s17] =	ssyncset.done $0x0  }
0x31: {  	s31 =	sadd.s32 $0x17C00, s19;
	[sflag:s17] =	ssyncadd.s32 $0xFFFFD800  }
0x32: {  	[spmem:s3] =	stream.indirect.scatter.add.f32 [tilespmem:s16], [sflag:$0x2], $0x80, s31, s15, $0xb8;
	[tilespmem:$0x1E400] =	vst v63  }
0x33: {  	_ =	swait.ge [sflag:s12], $0x2800  }
0x34: {  	s18 =	sadd.s32 $0x1, s18;
	[sflag:s12] =	ssyncset.done $0x0  }
0x35: {  	p0 =	sne.s32 s18, s10;
	[sflag:s12] =	ssyncadd.s32 $0xFFFFD800  }
.Ltmp1:
0x36: {  	[bflag:$0x0] =	sbarrier.arrive $0xFFFF;
	(pc) =	sbr.rel @p0 .LBB2_1-.Ltmp1, $4  }
0x37: {  	[hbm:s9], [sflag:s6] =	dma.local [spmem:s11], $0x2780  }
0x38: {  	_ =	swait.ge [sflag:s12], $0x2780  }
0x39: {  	[sflag:s12] =	ssyncset.done $0x0  }
0x3a: {  	[sflag:s12] =	ssyncadd.s32 $0xFFFFD880  }
0x3b: {  	_ =	sfence.sel $0x180000  }
0x3c: {  	[bflag:$0x0] =	sbarrier.arrive $0xFFFF  }
0x3d: {  	p0 =	sne.s32 s2, $0x0;
	_ =	strace $0x9000004D  }
0x3e: {  	s0 =	sadd.s32 @!p0 $0x100000, s1;
	[bflag:$0x2] =	sbarrier.arrive $0xFFFF  }
0x3f: {  	[sflag:s0] =	ssyncadd.tile.s32 @!p0 $0x1;
	_ =	shalt  }
.Lfunc_end2:
_tile_overlayer_lowered:
.L_overlay_start_2:
0x40: {  	(tag) =	ssettag $0x2  }
0x41: {  	s0 =	rddreg [dreg:$0x0];
	s2 =	stileid.u32  }
0x42: {  	s1 =	rddreg [dreg:$0x1];
	p0 =	sne.s32 s2, $0x0  }
0x43: {  	s3 =	rddreg [dreg:$0x2];
	[bflag:$0x3] =	sbarrier.arrive $0xFFFF;
	s2 =	simm.s32 @!p0 $0x1C02  }
0x44: {  	[timem:s3], [sflag:s2] =	dma.local @!p0 [hbm:s0], s1  }
0x45: {  	s0 =	simm.s32 @!p0 $0x2  }
0x46: {  	_ =	swait.ge @!p0 [sflag:s0], s1  }
0x47: {  	s1 =	ssub.s32 @!p0 $0x0, s1;
	[sflag:s0] =	ssyncset.done @!p0 $0x0  }
0x48: {  	[sflag:s0] =	ssyncadd.s32 @!p0 s1  }
0x49: {  	[bflag:$0x3] =	sbarrier.arrive $0xFFFF  }
0x4a: {  	_ =	shalt  }

// kernel: kernel.19.cloned.1.call-start
scs
__scs_entry_jumppad:
0x0: {  	(pc) =	sbr.rel $0x88, $3  }
0x1: {  	(tag) =	ssettag $0x0;
	lr =	simm.s32 $0x1  }
0x2: {  	[smem:$0x3F8D] =	sst lr;
	_ =	strace $0xD0000000  }
0x3: {  	_ = 	snop  }
0x4: {  	_ = 	snop  }
0x5: {  	_ = 	snop  }
0x6: {  	_ = 	snop  }
0x7: {  	_ = 	snop  }
__scs_overlays_trampoline_lowered:
0x8: {  	[smem:$0x3F9C] =	sst s0  }
0x9: {  	[smem:$0x3F9D] =	sst s1  }
0xa: {  	[smem:$0x3F9E] =	sst s2  }
0xb: {  	[smem:$0x3F9F] =	sst s3  }
0xc: {  	[smem:$0x3FA0] =	sst s4  }
0xd: {  	[smem:$0x3FA1] =	sst s5  }
0xe: {  	[smem:$0x3FA2] =	sst s6  }
0xf: {  	[smem:$0x3FA3] =	sst s7  }
0x10: {  	[smem:$0x3FA4] =	sst s8  }
0x11: {  	[smem:$0x3FA5] =	sst s9;
	s0 =	simm.s32 @!p0 $0x0  }
0x12: {  	s1 =	sld [smem:$0x3F8B];
	s0 =	simm.s32 @p0 $0x1  }
0x13: {  	[smem:$0x3FA6] =	sst s0;
	s0 =	simm.s32 @!p1 $0x0  }
0x14: {  	s2 =	sld [smem:$0x3F8A];
	s0 =	simm.s32 @p1 $0x1  }
0x15: {  	[smem:$0x3FA7] =	sst s0;
	s0 =	simm.s32 @!p2 $0x0  }
0x16: {  	s3 =	sld [smem:$0x3FDB];
	s0 =	simm.s32 @p2 $0x1  }
0x17: {  	s4 =	simm.s32 $0x1BF5;
	[smem:$0x3FA9] =	sst s0  }
0x18: {  	s0 =	sld [smem:$0x3F8C];
	_ =	swait.ge [sflag:s4], $0x0  }
0x19: {  	s7 =	sld [smem:$0x3F8D]  }
0x1a: {  	s8 =	sadd.s32 $0xFFFFE003, lr  }
0x1b: {  	s9 =	sadd.s32 $0xFFFFFEF7, lr;
	s5 =	simm.s32 $0xFFFFFFFF;
	p2 =	slt.u32 s8, $0xFFFFF086  }
0x1c: {  	p1 =	slt.u32 s9, $0xF7A;
	s5 =	simm.s32 @!p2 $0x0  }
0x1d: {  	s5 =	simm.s32 @p1 $0x1;
	p0 =	seq.s32 s7, s2  }
0x1e: {  	s7 =	smul.u32 @!p0 $0xF7A, s2;
	p2 =	seq.s32 @!p0 s5, $0x0  }
0x1f: {  	s9 =	smul.u32 $0xF7A, s1;
	s8 =	simm.s32 @!p0 $0x1BF5;
	p2 =	por !p2, p0  }
0x20: {  	[sflag:s8] =	ssyncset.s32 @!p0 $0xFFFFF086;
	s6 =	sadd.s32 @!p0 s3, s7;
	s7 =	simm.s32 @!p0 $0x108  }
0x21: {  	s3 =	sadd.s32 s3, s9;
	s6 =	sadd.s32 @!p0 $0x88, s6;
	s7 =	simm.s32 @p2 $0x1082  }
0x22: {  	[simem:s7], [sflag:s8] =	dma.local @!p0 [hbm:s6], $0xF7A  }
0x23: {  	s9 =	sor.u32 $0xD0000000, s2;
	s6 =	simm.s32 $0x108;
	_ =	swait.ge @!p0 [sflag:s8], $0x0  }
0x24: {  	s3 =	sadd.s32 $0x88, s3;
	s6 =	simm.s32 @!p1 $0x1082;
	[sflag:s4] =	ssyncset.s32 $0xFFFFF086  }
0x25: {  	[simem:s6], [sflag:s4] =	dma.local [hbm:s3], $0xF7A  }
0x26: {  	[smem:$0x3F8D] =	sst s1;
	(tag) =	ssettag s2;
	_ =	strace s9  }
0x27: {  	s1 =	sld [smem:$0x3F9D]  }
0x28: {  	s2 =	sld [smem:$0x3F9E]  }
0x29: {  	s4 =	sld [smem:$0x3FA0]  }
0x2a: {  	p0 =	seq.s32 s5, $0x0;
	s5 =	sld [smem:$0x3FA1]  }
0x2b: {  	s6 =	sld [smem:$0x3FA2]  }
0x2c: {  	s7 =	sld [smem:$0x3FA3]  }
0x2d: {  	s3 =	simm.s32 $0x108;
	s8 =	sld [smem:$0x3FA4]  }
0x2e: {  	s3 =	simm.s32 @!p0 $0x1082;
	s9 =	sld [smem:$0x3FA5]  }
0x2f: {  	lr =	sadd.s32 s0, s3;
	s0 =	sld [smem:$0x3F9C]  }
0x30: {  	s3 =	sld [smem:$0x3F9F]  }
0x31: {  	[smem:$0x3FA8] =	sst s10  }
0x32: {  	s10 =	sld [smem:$0x3FA6];
	_ =	sdelay $0x3  }
0x33: {  	p0 =	seq.s32 s10, $0x1;
	s10 =	sld [smem:$0x3FA8];
	_ =	sdelay $0x3  }
0x34: {  	[smem:$0x3FA8] =	sst s10  }
0x35: {  	s10 =	sld [smem:$0x3FA7];
	_ =	sdelay $0x3  }
0x36: {  	p1 =	seq.s32 s10, $0x1;
	s10 =	sld [smem:$0x3FA8];
	_ =	sdelay $0x3  }
0x37: {  	[smem:$0x3FA8] =	sst s10  }
0x38: {  	s10 =	sld [smem:$0x3FA9]  }
0x39: {  	_ = 	snop;
	(pc) =	sbr.ind lr, $3  }
0x3a: {  	_ = 	snop  }
0x3b: {  	_ = 	snop  }
0x3c: {  	p2 =	seq.s32 s10, $0x1;
	s10 =	sld [smem:$0x3FA8]  }
0x3d: {  	_ =	shalt  }
0x3e: {  	_ =	shalt  }
0x3f: {  	_ =	shalt  }
0x40: {  	_ =	shalt  }
0x41: {  	_ =	shalt  }
0x42: {  	_ =	shalt  }
0x43: {  	_ =	shalt  }
0x44: {  	_ =	shalt  }
0x45: {  	_ =	shalt  }
0x46: {  	_ =	shalt  }
0x47: {  	_ =	shalt  }
0x48: {  	_ =	shalt  }
0x49: {  	_ =	shalt  }
0x4a: {  	_ =	shalt  }
0x4b: {  	_ =	shalt  }
0x4c: {  	_ =	shalt  }
0x4d: {  	_ =	shalt  }
0x4e: {  	_ =	shalt  }
0x4f: {  	_ =	shalt  }
0x50: {  	_ =	shalt  }
0x51: {  	_ =	shalt  }
0x52: {  	_ =	shalt  }
0x53: {  	_ =	shalt  }
0x54: {  	_ =	shalt  }
0x55: {  	_ =	shalt  }
0x56: {  	_ =	shalt  }
0x57: {  	_ =	shalt  }
0x58: {  	_ =	shalt  }
0x59: {  	_ =	shalt  }
0x5a: {  	_ =	shalt  }
0x5b: {  	_ =	shalt  }
0x5c: {  	_ =	shalt  }
0x5d: {  	_ =	shalt  }
0x5e: {  	_ =	shalt  }
0x5f: {  	_ =	shalt  }
0x60: {  	_ =	shalt  }
0x61: {  	_ =	shalt  }
0x62: {  	_ =	shalt  }
0x63: {  	_ =	shalt  }
0x64: {  	_ =	shalt  }
0x65: {  	_ =	shalt  }
0x66: {  	_ =	shalt  }
0x67: {  	_ =	shalt  }
0x68: {  	_ =	shalt  }
0x69: {  	_ =	shalt  }
0x6a: {  	_ =	shalt  }
0x6b: {  	_ =	shalt  }
0x6c: {  	_ =	shalt  }
0x6d: {  	_ =	shalt  }
0x6e: {  	_ =	shalt  }
0x6f: {  	_ =	shalt  }
0x70: {  	_ =	shalt  }
0x71: {  	_ =	shalt  }
0x72: {  	_ =	shalt  }
0x73: {  	_ =	shalt  }
0x74: {  	_ =	shalt  }
0x75: {  	_ =	shalt  }
0x76: {  	_ =	shalt  }
0x77: {  	_ =	shalt  }
0x78: {  	_ =	shalt  }
0x79: {  	_ =	shalt  }
0x7a: {  	_ =	shalt  }
0x7b: {  	_ =	shalt  }
0x7c: {  	_ =	shalt  }
0x7d: {  	_ =	shalt  }
0x7e: {  	_ =	shalt  }
0x7f: {  	_ =	shalt  }
0x80: {  	_ =	shalt  }
0x81: {  	_ =	shalt  }
0x82: {  	_ =	shalt  }
0x83: {  	_ =	shalt  }
0x84: {  	_ =	shalt  }
0x85: {  	_ =	shalt  }
0x86: {  	_ =	shalt  }
0x87: {  	_ =	shalt  }
.Lfunc_end0:
.L_simem_size_0:
called_computation.3_lowered:
.L_overlay_start_0:
0x88: {  	s2 =	sld [smem:$0x3FD9]  }
0x89: {  	s3 =	sld [smem:$0x3FFE];
	_ =	sdelay $0x1  }
0x8a: {  	s1 =	srdreg.scid  }
0x8b: {  	s0 =	sand.u32 $0x1, s1  }
0x8c: {  	s17 =	sshll.u32 s0, $0xA;
	s2 =	sadd.s32 s3, s2  }
0x8d: {  	s2 =	sadd.s32 s2, s17  }
0x8e: {  	[smem:$0x3FB4] =	sst s2  }
0x8f: {  	_ = 	snop  }
0x90: {  	s2 =	sld [smem:$0x3FD0];
	(tm) =	ssettm $0x1  }
0x91: {  	s18 =	sld [smem:$0x3FFB];
	_ =	sdelay $0x3  }
0x92: {  	_ =	strace s18  }
0x93: {  	s3 =	sld [smem:$0x3FFC];
	_ =	sdelay $0x3  }
0x94: {  	_ =	strace s3  }
0x95: {  	s3 =	sld [smem:$0x3FFD];
	_ =	sdelay $0x3  }
0x96: {  	_ =	strace s3  }
0x97: {  	_ =	strace $0x8FFFFFFF  }
0x98: {  	s19 =	sld [smem:$0x3FDB];
	_ =	sdelay $0x1  }
0x99: {  	s4 =	simm.s32 $_scs_section_size  }
0x9a: {  	s5 =	simm.s32 $_size__tile_overlayer_lowered;
	s6 =	simm.s32 $_tile_overlayer_lowered  }
0x9b: {  	s22 =	simm.s32 $0x1BFF;
	s21 =	sshll.u32 s6, $0x1;
	s3 =	sadd.s32 s4, s19  }
0x9c: {  	s7 =	simm.s32 $0x0;
	s20 =	sshll.u32 s5, $0x1;
	s5 =	sadd.s32 s21, s3  }
0x9d: {  	[timem:s7], [sflag:s22] =	dma.local [hbm:s5], s20  }
0x9e: {  	_ =	swait.ge [sflag:s22], s20  }
0x9f: {  	s4 =	ssub.s32 $0x0, s20;
	[sflag:s22] =	ssyncset.done $0x0  }
0xa0: {  	[sflag:s22] =	ssyncadd.s32 s4;
	_ =	sdelay $0x1  }
0xa1: {  	s23 =	simm.s32 $0x1B8B  }
0xa2: {  	_ =	swait.ge [sflag:s23], $0x1  }
0xa3: {  	[sflag:s23] =	ssyncset.done $0x0  }
0xa4: {  	s25 =	simm.s32 $0x1B8E;
	s24 =	sld [smem:$0x3FFE];
	[sflag:s23] =	ssyncadd.s32 $0xFFFFFFFF  }
0xa5: {  	s26 =	simm.s32 $execute0_lowered;
	[smem:$0x3FD2] =	sst s25  }
0xa6: {  	s5 =	sshll.u32 s26, $0x1;
	_ =	strace $0x8000004F;
	[dreg:$0x1] =	wrdreg $0xFFFFFFFF  }
0xa7: {  	s28 =	simm.s32 $_size_execute0_lowered;
	s3 =	sadd.s32 s3, s5;
	[dreg:$0x0] =	wrdreg $0x0  }
0xa8: {  	s5 =	sshll.u32 s28, $0x1;
	[dreg:$0x2] =	wrdreg s3  }
0xa9: {  	[dreg:$0x3] =	wrdreg s5  }
0xaa: {  	[dreg:$0x4] =	wrdreg $0xC0  }
0xab: {  	_ =	task [dreg:s7], $0x5FFFF  }
0xac: {  	[dreg:$0x1] =	wrdreg $0xFFFFFFFF  }
0xad: {  	[dreg:$0x0] =	wrdreg $0x60  }
0xae: {  	[dreg:$0x2] =	wrdreg s2  }
0xaf: {  	[dreg:$0x3] =	wrdreg s24  }
0xb0: {  	[dreg:$0x4] =	wrdreg $0x0  }
0xb1: {  	[dreg:$0x5] =	wrdreg $0x9  }
0xb2: {  	_ =	task.clear_ibuf [dreg:s7], $0x6FFFF;
	_ =	strace $0x9000004F  }
0xb3: {  	s29 =	simm.s32 $0x9;
	_ =	strace $0x80000051  }
0xb4: {  	_ =	swait.ge [sflag:s29], $0x1  }
0xb5: {  	[sflag:s29] =	ssyncadd.s32 $0xFFFFFFFF  }
0xb6: {  	_ =	strace $0x90000051  }
0xb7: {  	_ =	sfence  }
0xb8: {  	s30 =	sld [smem:$0x0];
	_ =	sdelay $0x2  }
0xb9: {  	s31 =	sshll.u32 s1, $0xD;
	s1 =	sshrl.u32 s1, $0x2  }
0xba: {  	s3 =	sand.u32 $0x4000, s31;
	s1 =	sadd.s32 s1, s30  }
0xbb: {  	s0 =	sor.u32 s3, s0;
	s1 =	sshll.u32 s1, $0x11  }
0xbc: {  	s0 =	sor.u32 s1, s0  }
0xbd: {  	s0 =	sadd.s32 $0x8F2B, s0  }
0xbe: {  	[sflag:s0] =	ssyncadd.remote.s32 $0x1  }
0xbf: {  	_ =	sfence.sel $0xFFFF  }
0xc0: {  	[dreg:$0x0] =	wrdreg $0xFFFFFFFF;
	(pc) =	sbr.abs _section_cstart, $3  }
0xc1: {  	[dreg:$0x1] =	wrdreg $0xFFFFFFFF  }
0xc2: {  	_ =	task.clear_ibuf [dreg:s7], $0x2FFFF;
	_ =	strace $0x9FFFFFFF  }
0xc3: {  	(tm) =	ssettm $0x7FFFFFFF  }
tec
execute0_lowered:
.L_overlay_start_1:
0x0: {  	(tag) =	ssettag $0x1  }
0x1: {  	s0 =	rddreg [dreg:$0x0]  }
0x2: {  	s6 =	rddreg [dreg:$0x1]  }
0x3: {  	s1 =	srdreg.scid;
	s3 =	rddreg [dreg:$0x2]  }
0x4: {  	s2 =	stileid.u32;
	s4 =	simm.s32 $0x0;
	s14 =	simm.s32 $0x17C00  }
0x5: {  	s15 =	simm.s32 $0x50;
	s16 =	simm.s32 $0x1BC00;
	s17 =	simm.s32 $0x1  }
0x6: {  	s7 =	sand.u32 $0x1, s1;
	s1 =	rddreg [dreg:$0x3];
	s8 =	smul.u32 $0x13C00, s2  }
0x7: {  	s18 =	simm.s32 $0x0;
	[smem:$0x7FF] =	sst s4;
	s30 =	smul.u32 $0x4F000, s2  }
0x8: {  	s9 =	sshll.u32 s2, $0xC;
	s11 =	sshll.u32 s2, $0x6;
	s5 =	smul.u32 $0x13C000, s7  }
0x9: {  	s10 =	sshll.u32 s7, $0xB;
	_ =	strace $0x80000050;
	s31 =	ssub.s32 $0x2, s7  }
0xa: {  	s9 =	sor.u32 s10, s9;
	s7 =	sshrl.u32 s31, $0x1;
	s10 =	sshrl.u32 s30, $0x2  }
0xb: {  	s5 =	sadd.s32 s8, s5;
	s28 =	sadd.s32 s9, s6;
	s12 =	ssub.s32 s31, s7  }
0xc: {  	s13 =	sadd.s32 s10, s3;
	s29 =	sshrl.u32 s5, $0x3;
	s5 =	sadd.s32 $0x14400, s6  }
0xd: {  	s7 =	sadd.s32 $0x63A00, s28;
	s8 =	sadd.s32 $0x4400, s28;
	s10 =	smax.u32 s12, $0x1  }
0xe: {  	s12 =	simm.s32 $0x2;
	s9 =	sadd.s32 s29, s6;
	s6 =	sor.u32 $0x1C02, s11  }
0xf: {  	s11 =	sshrl.u32 s13, $0x3;
	s13 =	simm.s32 $0x13C00;
	s9 =	sadd.s32 $0x73A00, s9  }
.LBB2_1:
0x10: {  	[spmem:s11], [sflag:s6] =	dma.local [hbm:s5], $0x2780  }
0x11: {  	_ =	swait.ge [sflag:s12], $0x2780  }
0x12: {  	[sflag:s12] =	ssyncset.done $0x0  }
0x13: {  	[sflag:s12] =	ssyncadd.s32 $0xFFFFD880  }
0x14: {  	[tilespmem:s13], [sflag:$0x2] =	stream.linear.gather [hbm4b:s7+s4], $0x3E80, $0x38;
	[tilespmem:$0x1E400] =	vst v63  }
0x15: {  	_ =	swait.ge [sflag:s12], $0x3E80  }
0x16: {  	[sflag:s12] =	ssyncset.done $0x0  }
0x17: {  	[sflag:s12] =	ssyncadd.s32 $0xFFFFC180  }
0x18: {  	[tilespmem:s14], [sflag:$0x2] =	stream.linear.gather [hbm4b:s8+s4], $0x3E80, $0x38;
	[tilespmem:$0x1E400] =	vst v63  }
0x19: {  	_ =	swait.ge [sflag:s12], $0x3E80  }
0x1a: {  	[sflag:s12] =	ssyncset.done $0x0  }
0x1b: {  	[sflag:s12] =	ssyncadd.s32 $0xFFFFC180  }
0x1c: {  	s19 =	simm.s32 $0x13C00;
	[bflag:$0x0] =	sbarrier.arrive $0xFFFF  }
0x1d: {  	[tilespmem:s16], [sflag:$0x1] =	stream.indirect.gather [hbm4b:s0+s15], $0x80, s19, s15, $0xb8;
	[tilespmem:$0x1E400] =	vst v63  }
0x1e: {  	_ =	swait.ge [sflag:s17], $0x2800  }
0x1f: {  	[sflag:s17] =	ssyncset.done $0x0  }
0x20: {  	s31 =	simm.s32 $0x17C00;
	[sflag:s17] =	ssyncadd.s32 $0xFFFFD800  }
0x21: {  	[spmem:s3] =	stream.indirect.scatter.add.f32 [tilespmem:s16], [sflag:$0x2], $0x80, s31, s15, $0xb8;
	[tilespmem:$0x1E400] =	vst v63  }
0x22: {  	_ =	swait.ge [sflag:s12], $0x2800  }
0x23: {  	s20 =	simm.s32 $0x400;
	s19 =	simm.s32 $0x80;
	[sflag:s12] =	ssyncset.done $0x0  }
.LBB2_2:
0x24: {  	s21 =	sadd.s32 $0x13C00, s19  }
0x25: {  	[sflag:s12] =	ssyncadd.s32 $0xFFFFD800;
	s22 =	smov.u32 s20;
	s23 =	sadd.s32 $0x200, s20  }
0x26: {  	[tilespmem:s16], [sflag:$0x1] =	stream.indirect.gather [hbm4b:s0+s15], $0x80, s21, s15, $0xb8;
	[tilespmem:$0x1E400] =	vst v63  }
0x27: {  	p0 =	sne.s32 s20, $0xF800;
	_ =	swait.ge [sflag:s17], $0x2800  }
.Ltmp0:
0x28: {  	[sflag:s17] =	ssyncset.done $0x0;
	(pc) =	sbr.rel @p0 .LBB2_2-.Ltmp0, $4  }
0x29: {  	s19 =	sadd.s32 $0x17C00, s19;
	[sflag:s17] =	ssyncadd.s32 $0xFFFFD800  }
0x2a: {  	[spmem:s3] =	stream.indirect.scatter.add.f32 [tilespmem:s16], [sflag:$0x2], $0x80, s19, s15, $0xb8;
	[tilespmem:$0x1E400] =	vst v63  }
0x2b: {  	_ =	swait.ge [sflag:s12], $0x2800  }
0x2c: {  	s20 =	smov.u32 s23;
	s19 =	sshra.s32 s22, $0x2;
	[sflag:s12] =	ssyncset.done $0x0  }
0x2d: {  	s20 =	sadd.s32 $0x13C00, s19;
	[sflag:s12] =	ssyncadd.s32 $0xFFFFD800  }
0x2e: {  	[tilespmem:s16], [sflag:$0x1] =	stream.indirect.gather [hbm4b:s0+s15], $0x80, s20, s15, $0xb8;
	[tilespmem:$0x1E400] =	vst v63  }
0x2f: {  	_ =	swait.ge [sflag:s17], $0x2800  }
0x30: {  	[sflag:s17] =	ssyncset.done $0x0  }
0x31: {  	s31 =	sadd.s32 $0x17C00, s19;
	[sflag:s17] =	ssyncadd.s32 $0xFFFFD800  }
0x32: {  	[spmem:s3] =	stream.indirect.scatter.add.f32 [tilespmem:s16], [sflag:$0x2], $0x80, s31, s15, $0xb8;
	[tilespmem:$0x1E400] =	vst v63  }
0x33: {  	_ =	swait.ge [sflag:s12], $0x2800  }
0x34: {  	s18 =	sadd.s32 $0x1, s18;
	[sflag:s12] =	ssyncset.done $0x0  }
0x35: {  	p0 =	sne.s32 s18, s10;
	[sflag:s12] =	ssyncadd.s32 $0xFFFFD800  }
.Ltmp1:
0x36: {  	[bflag:$0x0] =	sbarrier.arrive $0xFFFF;
	(pc) =	sbr.rel @p0 .LBB2_1-.Ltmp1, $4  }
0x37: {  	[hbm:s9], [sflag:s6] =	dma.local [spmem:s11], $0x2780  }
0x38: {  	_ =	swait.ge [sflag:s12], $0x2780  }
0x39: {  	[sflag:s12] =	ssyncset.done $0x0  }
0x3a: {  	[sflag:s12] =	ssyncadd.s32 $0xFFFFD880  }
0x3b: {  	_ =	sfence.sel $0x180000  }
0x3c: {  	[bflag:$0x0] =	sbarrier.arrive $0xFFFF  }
0x3d: {  	p0 =	sne.s32 s2, $0x0;
	_ =	strace $0x90000050  }
0x3e: {  	s0 =	sadd.s32 @!p0 $0x100000, s1;
	[bflag:$0x2] =	sbarrier.arrive $0xFFFF  }
0x3f: {  	[sflag:s0] =	ssyncadd.tile.s32 @!p0 $0x1;
	_ =	shalt  }
.Lfunc_end2:
_tile_overlayer_lowered:
.L_overlay_start_2:
0x40: {  	(tag) =	ssettag $0x2  }
0x41: {  	s0 =	rddreg [dreg:$0x0];
	s2 =	stileid.u32  }
0x42: {  	s1 =	rddreg [dreg:$0x1];
	p0 =	sne.s32 s2, $0x0  }
0x43: {  	s3 =	rddreg [dreg:$0x2];
	[bflag:$0x3] =	sbarrier.arrive $0xFFFF;
	s2 =	simm.s32 @!p0 $0x1C02  }
0x44: {  	[timem:s3], [sflag:s2] =	dma.local @!p0 [hbm:s0], s1  }
0x45: {  	s0 =	simm.s32 @!p0 $0x2  }
0x46: {  	_ =	swait.ge @!p0 [sflag:s0], s1  }
0x47: {  	s1 =	ssub.s32 @!p0 $0x0, s1;
	[sflag:s0] =	ssyncset.done @!p0 $0x0  }
0x48: {  	[sflag:s0] =	ssyncadd.s32 @!p0 s1  }
0x49: {  	[bflag:$0x3] =	sbarrier.arrive $0xFFFF  }
0x4a: {  	_ =	shalt  }

</sc_bundles>
